<compile_context>
chip_gen: v7x
topology: tpu7x:2x2x1
jax: 0.10.2.dev20260603
libtpu: 0.0.44.dev20260713+nightly
codegen_flags: <defaults>
</compile_context>

<pallas_src>
import functools

import jax
import jax.numpy as jnp
from jax import lax
from jax.experimental import pallas as pl
from jax.experimental.pallas import tpu as pltpu
from jax.experimental.pallas import tpu_sc as plsc

_L = 16
_HT = 8
_BQ = 1024
_NBUF = 4


def _sc_time_encode(xt, tt, tabf, H):
    L, H_, B = xt.shape
    NW = 32
    NLG = 8
    NJQ = 4
    LPW = L // NLG
    NHT = H // _HT
    NC = LPW * NHT
    NG = _BQ // _L
    assert B == NJQ * _BQ and H_ == H and L % NLG == 0
    mesh = plsc.VectorSubcoreMesh(core_axis_name="c", subcore_axis_name="s")

    @functools.partial(
        pl.kernel,
        out_type=jax.ShapeDtypeStruct((L, H, B), jnp.float32),
        mesh=mesh,
        compiler_params=pltpu.CompilerParams(use_tc_tiling_on_sc=True,
                                             needs_layout_passes=False),
        scratch_types=[
            pltpu.VMEM((tabf.shape[0],), jnp.float32),
            pltpu.VMEM((_HT, _BQ), jnp.int32),
            pltpu.VMEM((_BQ,), jnp.int32),
            pltpu.VMEM((_NBUF, _HT, _BQ), jnp.float32),
            pltpu.SemaphoreType.DMA((_NBUF,)),
            pltpu.SemaphoreType.DMA((_NBUF,)),
        ],
    )
    def k(x_hbm, t_hbm, tab_hbm, out_hbm, tab_v, tv, t64_v, buf_v, sx, so):
        wid = lax.axis_index("s") * 2 + lax.axis_index("c")
        lg = wid // NJQ
        b0 = pl.multiple_of((wid % NJQ) * _BQ, _BQ)
        l_base = lg * LPW
        pltpu.sync_copy(tab_hbm, tab_v)

        def coords(c):
            return l_base + c // NHT, lax.rem(c, NHT)

        def in_copy(c, b):
            l, i = coords(c)
            h0 = pl.multiple_of(i * _HT, _HT)
            return pltpu.make_async_copy(
                x_hbm.at[l, pl.ds(h0, _HT), pl.ds(b0, _BQ)], buf_v.at[b],
                sx.at[b])

        def out_copy(c, b):
            l, i = coords(c)
            h0 = pl.multiple_of(i * _HT, _HT)
            return pltpu.make_async_copy(
                buf_v.at[b], out_hbm.at[l, pl.ds(h0, _HT), pl.ds(b0, _BQ)],
                so.at[b])

        for c in range(2):
            in_copy(c, c).start()

        def step(c, _):
            b = lax.rem(c, _NBUF)
            l, i = coords(c)
            l8 = pl.multiple_of((l // _HT) * _HT, _HT)

            @pl.when((c == 0) | ((i == 0) & (l == l8)))
            def _():
                pltpu.sync_copy(t_hbm.at[pl.ds(l8, _HT), pl.ds(b0, _BQ)], tv)

            @pl.when(i == 0)
            def _():
                li = l - l8
                for g in range(NG):
                    t64_v[pl.ds(g * _L, _L)] = tv[li, pl.ds(g * _L, _L)] * (H + 1)

            in_copy(c, b).wait()
            h_abs = i * _HT

            @plsc.parallel_loop(0, NG, 1, unroll=2)
            def gbody(g):
                tg = t64_v[pl.ds(g * _L, _L)]
                vals = [plsc.load_gather(tab_v, [tg + (h_abs + h)])
                        for h in range(_HT)]
                for h in range(_HT):
                    plsc.addupdate(buf_v.at[b, h, pl.ds(g * _L, _L)], vals[h])

            out_copy(c, b).start()
            out_copy(c, b).wait()

            cp = c + 2

            @pl.when(cp < NC)
            def _():
                in_copy(cp, lax.rem(cp, _NBUF)).start()

            return ()

        lax.fori_loop(0, NC, step, ())


    return k(xt, tt, tabf)


def kernel(inputs, times, table):
    B, L, H = inputs.shape
    NP = table.shape[0]

    TROWS = 32
    tabf = jnp.zeros((TROWS, H + 1), jnp.float32).at[:NP, :H].set(table)
    tabf = tabf.reshape(-1)
    t2 = times.astype(jnp.int32).at[:, 0].set(TROWS - 1)

    xt = jnp.transpose(inputs, (1, 2, 0))
    tt = jnp.transpose(t2, (1, 0))

    out_t = _sc_time_encode(xt, tt, tabf, H)
    return jnp.transpose(out_t, (2, 0, 1))

# --- scband reference (transcript-rebuilt; emitter-appended) ---
"""Pipeline reference for scband-time-encoding-72988674228226 (READ-ONLY COPY).

The authoritative reference and input builder live on the scoring server;
editing this copy changes nothing except your own understanding.
"""

import jax, jax.numpy as jnp
import numpy as np

B, L, H = 4096, 200, 64
NUM_POS = 25

def setup_inputs(seed: int = 0) -> dict:
    key = jax.random.key(seed)
    k1, k2, k3 = jax.random.split(key, 3)
    inputs = jax.random.normal(k1, (B, L, H), dtype=jnp.float32)
    times = jax.random.randint(k2, (B, L), 0, NUM_POS)
    table = jax.random.normal(k3, (NUM_POS, H), dtype=jnp.float32) * 0.02
    return {"inputs": inputs, "times": times, "table": table}

def reference(inputs, times, table):
    # PositionalEmbedding(25, hidden, None, learned=True): learned embedding lookup at given positions
    embeddings = jnp.take(table, times, axis=0)  # [B, L, H]
    # inputs[:, 1:, :] = inputs[:, 1:, :] + embeddings[:, 1:, :]
    out = inputs.at[:, 1:, :].add(embeddings[:, 1:, :])
    return out

if __name__ == "__main__":
    import jax
    _d = setup_inputs()
    print(jax.jit(kernel)(*tuple(_d.values())))

</pallas_src>

<mosaic_0001>
#map = affine_map<(d0, d1) -> (0, 0, 0)>
#map1 = affine_map<(d0, d1) -> (0, 0)>
#map2 = affine_map<(d0, d1) -> (0)>
module attributes {stable_mosaic.version = 14 : i64} {
  func.func @k(%arg0: i32, %arg1: i32, %arg2: memref<200x64x4096xf32, #tpu.memory_space<hbm>>, %arg3: memref<200x4096xi32, #tpu.memory_space<hbm>>, %arg4: memref<2080xf32, #tpu.memory_space<hbm>>, %arg5: memref<200x64x4096xf32, #tpu.memory_space<hbm>>, %arg6: memref<2080xf32, #tpu.memory_space<vmem>>, %arg7: memref<8x1024xi32, #tpu.memory_space<vmem>>, %arg8: memref<1024xi32, #tpu.memory_space<vmem>>, %arg9: memref<4x8x1024xf32, #tpu.memory_space<vmem>>, %arg10: memref<4x!tpu.dma_semaphore, #tpu.memory_space<semaphore_mem>>, %arg11: memref<4x!tpu.dma_semaphore, #tpu.memory_space<semaphore_mem>>) attributes {dimension_semantics = [#tpu.dimension_semantics<core_parallel>, #tpu.dimension_semantics<subcore_parallel>], iteration_bounds = array<i64: 2, 16>, scalar_prefetch = 0 : i64, scratch_operands = 6 : i64, tpu.core_type = #tpu.core_type<sc_vector_subcore>, window_params = [{transform_indices = #map}, {transform_indices = #map1}, {transform_indices = #map2}, {transform_indices = #map}]} {
    %mul3A = arith.constant 2 : i32
    %mul3A_0 = arith.muli %arg1, %mul3A : i32
    %add3A = arith.addi %mul3A_0, %arg0 : i32
    %jit3A = arith.constant 4 : i32
    %div3A = arith.divsi %add3A, %jit3A : i32
    %sign3A = arith.constant 0 : i32
    %sign3A_1 = arith.cmpi sgt, %add3A, %sign3A : i32
    %sign3A_2 = arith.extui %sign3A_1 : i1 to i32
    %sign3A_3 = arith.constant 0 : i32
    %sign3A_4 = arith.cmpi slt, %add3A, %sign3A_3 : i32
    %sign3A_5 = arith.extui %sign3A_4 : i1 to i32
    %sign3A_6 = arith.subi %sign3A_2, %sign3A_5 : i32
    %sign3A_7 = arith.constant 0 : i32
    %sign3A_8 = arith.cmpi sgt, %jit3A, %sign3A_7 : i32
    %sign3A_9 = arith.extui %sign3A_8 : i1 to i32
    %sign3A_10 = arith.constant 0 : i32
    %sign3A_11 = arith.cmpi slt, %jit3A, %sign3A_10 : i32
    %sign3A_12 = arith.extui %sign3A_11 : i1 to i32
    %sign3A_13 = arith.subi %sign3A_9, %sign3A_12 : i32
    %ne3A = arith.cmpi ne, %sign3A_6, %sign3A_13 : i32
    %rem3A = arith.remsi %add3A, %jit3A : i32
    %ne3A_14 = arith.constant 0 : i32
    %ne3A_15 = arith.cmpi ne, %rem3A, %ne3A_14 : i32
    %and3A = arith.andi %ne3A, %ne3A_15 : i1
    %sub3A = arith.constant 1 : i32
    %sub3A_16 = arith.subi %div3A, %sub3A : i32
    %select_n3A = arith.select %and3A, %sub3A_16, %div3A : i32
    %jit3A_17 = arith.constant 4 : i32
    %eq3A = arith.constant 0 : i32
    %eq3A_18 = arith.cmpi eq, %jit3A_17, %eq3A : i32
    %jit3A_19 = arith.constant 1 : i32
    %select_n3A_20 = arith.select %eq3A_18, %jit3A_19, %jit3A_17 : i32
    %rem3A_21 = arith.remsi %add3A, %select_n3A_20 : i32
    %ne3A_22 = arith.constant 0 : i32
    %ne3A_23 = arith.cmpi ne, %rem3A_21, %ne3A_22 : i32
    %lt3A = arith.constant 0 : i32
    %lt3A_24 = arith.cmpi slt, %rem3A_21, %lt3A : i32
    %lt3A_25 = arith.constant 0 : i32
    %lt3A_26 = arith.cmpi slt, %select_n3A_20, %lt3A_25 : i32
    %ne3A_27 = arith.xori %lt3A_24, %lt3A_26 : i1
    %and3A_28 = arith.andi %ne3A_27, %ne3A_23 : i1
    %add3A_29 = arith.addi %rem3A_21, %select_n3A_20 : i32
    %select_n3A_30 = arith.select %and3A_28, %add3A_29, %rem3A_21 : i32
    %mul3A_31 = arith.constant 1024 : i32
    %mul3A_32 = arith.muli %select_n3A_30, %mul3A_31 : i32
    %multiple_of3A = tpu.assume_multiple %mul3A_32, 1024 : i32
    %mul3A_33 = arith.constant 25 : i32
    %mul3A_34 = arith.muli %select_n3A, %mul3A_33 : i32
    "tpu.region"() ({
      %run_scoped3A = tpu.sem_alloc : memref<!tpu.dma_semaphore, #tpu.memory_space<semaphore_mem>>
      tpu.enqueue_dma source(%arg4 : memref<2080xf32, #tpu.memory_space<hbm>>) target(%arg6 : memref<2080xf32, #tpu.memory_space<vmem>>) target_semaphore(%run_scoped3A : memref<!tpu.dma_semaphore, #tpu.memory_space<semaphore_mem>>)
      tpu.wait_dma2 semaphore(%run_scoped3A : memref<!tpu.dma_semaphore, #tpu.memory_space<semaphore_mem>>) src(%arg4 : memref<2080xf32, #tpu.memory_space<hbm>>) dst(%arg6 : memref<2080xf32, #tpu.memory_space<vmem>>)
      tpu.yield
    }) : () -> ()
    %add3A_35 = arith.constant 0 : i32
    %add3A_36 = arith.addi %mul3A_34, %add3A_35 : i32
    %rem3A_37 = arith.constant 0 : i32
    %rem3A_38 = arith.constant 8 : i32
    %rem3A_39 = arith.remsi %rem3A_37, %rem3A_38 : i32
    %mul3A_40 = arith.constant 8 : i32
    %mul3A_41 = arith.muli %rem3A_39, %mul3A_40 : i32
    %multiple_of3A_42 = tpu.assume_multiple %mul3A_41, 8 : i32
    %dma_start3A = arith.constant 0 : i32
    %dma_start3A_43 = arith.constant 0 : i32
    %dma_start3A_44 = arith.constant 0 : i32
    %dma_start3A_45 = arith.constant 0 : i32
    %dma_start3A_46 = tpu.memref_slice %arg9[%dma_start3A, %dma_start3A_44, %dma_start3A_45] : memref<4x8x1024xf32, #tpu.memory_space<vmem>> -> memref<1x8x1024xf32, #tpu.memory_space<vmem>>
    %dma_start3A_47 = tpu.memref_squeeze %dma_start3A_46 : memref<1x8x1024xf32, #tpu.memory_space<vmem>> -> memref<8x1024xf32, #tpu.memory_space<vmem>>
    %dma_start3A_48 = tpu.memref_slice %arg2[%add3A_36, %multiple_of3A_42, %multiple_of3A] : memref<200x64x4096xf32, #tpu.memory_space<hbm>> -> memref<1x8x1024xf32, #tpu.memory_space<hbm>>
    %dma_start3A_49 = tpu.memref_squeeze %dma_start3A_48 : memref<1x8x1024xf32, #tpu.memory_space<hbm>> -> memref<8x1024xf32, #tpu.memory_space<hbm>>
    %dma_start3A_50 = tpu.memref_slice %arg10[%dma_start3A_43] : memref<4x!tpu.dma_semaphore, #tpu.memory_space<semaphore_mem>> -> memref<1x!tpu.dma_semaphore, #tpu.memory_space<semaphore_mem>>
    %dma_start3A_51 = tpu.memref_squeeze %dma_start3A_50 : memref<1x!tpu.dma_semaphore, #tpu.memory_space<semaphore_mem>> -> memref<!tpu.dma_semaphore, #tpu.memory_space<semaphore_mem>>
    %dma_start3A_52 = arith.constant 0 : i32
    %dma_start3A_53 = arith.constant 0 : i32
    %dma_start3A_54 = tpu.memref_slice %arg9[%dma_start3A, %dma_start3A_52, %dma_start3A_53] : memref<4x8x1024xf32, #tpu.memory_space<vmem>> -> memref<1x8x1024xf32, #tpu.memory_space<vmem>>
    %dma_start3A_55 = tpu.memref_squeeze %dma_start3A_54 : memref<1x8x1024xf32, #tpu.memory_space<vmem>> -> memref<8x1024xf32, #tpu.memory_space<vmem>>
    %dma_start3A_56 = tpu.memref_slice %arg2[%add3A_36, %multiple_of3A_42, %multiple_of3A] : memref<200x64x4096xf32, #tpu.memory_space<hbm>> -> memref<1x8x1024xf32, #tpu.memory_space<hbm>>
    %dma_start3A_57 = tpu.memref_squeeze %dma_start3A_56 : memref<1x8x1024xf32, #tpu.memory_space<hbm>> -> memref<8x1024xf32, #tpu.memory_space<hbm>>
    tpu.enqueue_dma source(%dma_start3A_57 : memref<8x1024xf32, #tpu.memory_space<hbm>>) target(%dma_start3A_55 : memref<8x1024xf32, #tpu.memory_space<vmem>>) target_semaphore(%dma_start3A_51 : memref<!tpu.dma_semaphore, #tpu.memory_space<semaphore_mem>>)
    %add3A_58 = arith.constant 0 : i32
    %add3A_59 = arith.addi %mul3A_34, %add3A_58 : i32
    %rem3A_60 = arith.constant 1 : i32
    %rem3A_61 = arith.constant 8 : i32
    %rem3A_62 = arith.remsi %rem3A_60, %rem3A_61 : i32
    %mul3A_63 = arith.constant 8 : i32
    %mul3A_64 = arith.muli %rem3A_62, %mul3A_63 : i32
    %multiple_of3A_65 = tpu.assume_multiple %mul3A_64, 8 : i32
    %dma_start3A_66 = arith.constant 1 : i32
    %dma_start3A_67 = arith.constant 1 : i32
    %dma_start3A_68 = arith.constant 0 : i32
    %dma_start3A_69 = arith.constant 0 : i32
    %dma_start3A_70 = tpu.memref_slice %arg9[%dma_start3A_66, %dma_start3A_68, %dma_start3A_69] : memref<4x8x1024xf32, #tpu.memory_space<vmem>> -> memref<1x8x1024xf32, #tpu.memory_space<vmem>>
    %dma_start3A_71 = tpu.memref_squeeze %dma_start3A_70 : memref<1x8x1024xf32, #tpu.memory_space<vmem>> -> memref<8x1024xf32, #tpu.memory_space<vmem>>
    %dma_start3A_72 = tpu.memref_slice %arg2[%add3A_59, %multiple_of3A_65, %multiple_of3A] : memref<200x64x4096xf32, #tpu.memory_space<hbm>> -> memref<1x8x1024xf32, #tpu.memory_space<hbm>>
    %dma_start3A_73 = tpu.memref_squeeze %dma_start3A_72 : memref<1x8x1024xf32, #tpu.memory_space<hbm>> -> memref<8x1024xf32, #tpu.memory_space<hbm>>
    %dma_start3A_74 = tpu.memref_slice %arg10[%dma_start3A_67] : memref<4x!tpu.dma_semaphore, #tpu.memory_space<semaphore_mem>> -> memref<1x!tpu.dma_semaphore, #tpu.memory_space<semaphore_mem>>
    %dma_start3A_75 = tpu.memref_squeeze %dma_start3A_74 : memref<1x!tpu.dma_semaphore, #tpu.memory_space<semaphore_mem>> -> memref<!tpu.dma_semaphore, #tpu.memory_space<semaphore_mem>>
    %dma_start3A_76 = arith.constant 0 : i32
    %dma_start3A_77 = arith.constant 0 : i32
    %dma_start3A_78 = tpu.memref_slice %arg9[%dma_start3A_66, %dma_start3A_76, %dma_start3A_77] : memref<4x8x1024xf32, #tpu.memory_space<vmem>> -> memref<1x8x1024xf32, #tpu.memory_space<vmem>>
    %dma_start3A_79 = tpu.memref_squeeze %dma_start3A_78 : memref<1x8x1024xf32, #tpu.memory_space<vmem>> -> memref<8x1024xf32, #tpu.memory_space<vmem>>
    %dma_start3A_80 = tpu.memref_slice %arg2[%add3A_59, %multiple_of3A_65, %multiple_of3A] : memref<200x64x4096xf32, #tpu.memory_space<hbm>> -> memref<1x8x1024xf32, #tpu.memory_space<hbm>>
    %dma_start3A_81 = tpu.memref_squeeze %dma_start3A_80 : memref<1x8x1024xf32, #tpu.memory_space<hbm>> -> memref<8x1024xf32, #tpu.memory_space<hbm>>
    tpu.enqueue_dma source(%dma_start3A_81 : memref<8x1024xf32, #tpu.memory_space<hbm>>) target(%dma_start3A_79 : memref<8x1024xf32, #tpu.memory_space<vmem>>) target_semaphore(%dma_start3A_75 : memref<!tpu.dma_semaphore, #tpu.memory_space<semaphore_mem>>)
    %scan3A = arith.constant 0 : i32
    %scan3A_82 = arith.constant 200 : i32
    %scan3A_83 = arith.addi %scan3A, %scan3A_82 : i32
    %scan3A_84 = arith.constant 1 : i32
    scf.for %scan3A_86 = %scan3A to %scan3A_83 step %scan3A_84  : i32 {
      %rem3A_87 = arith.constant 4 : i32
      %rem3A_88 = arith.remsi %scan3A_86, %rem3A_87 : i32
      %jit3A_89 = arith.constant 8 : i32
      %div3A_90 = arith.divsi %scan3A_86, %jit3A_89 : i32
      %sign3A_91 = arith.constant 0 : i32
      %sign3A_92 = arith.cmpi sgt, %scan3A_86, %sign3A_91 : i32
      %sign3A_93 = arith.extui %sign3A_92 : i1 to i32
      %sign3A_94 = arith.constant 0 : i32
      %sign3A_95 = arith.cmpi slt, %scan3A_86, %sign3A_94 : i32
      %sign3A_96 = arith.extui %sign3A_95 : i1 to i32
      %sign3A_97 = arith.subi %sign3A_93, %sign3A_96 : i32
      %sign3A_98 = arith.constant 0 : i32
      %sign3A_99 = arith.cmpi sgt, %jit3A_89, %sign3A_98 : i32
      %sign3A_100 = arith.extui %sign3A_99 : i1 to i32
      %sign3A_101 = arith.constant 0 : i32
      %sign3A_102 = arith.cmpi slt, %jit3A_89, %sign3A_101 : i32
      %sign3A_103 = arith.extui %sign3A_102 : i1 to i32
      %sign3A_104 = arith.subi %sign3A_100, %sign3A_103 : i32
      %ne3A_105 = arith.cmpi ne, %sign3A_97, %sign3A_104 : i32
      %rem3A_106 = arith.remsi %scan3A_86, %jit3A_89 : i32
      %ne3A_107 = arith.constant 0 : i32
      %ne3A_108 = arith.cmpi ne, %rem3A_106, %ne3A_107 : i32
      %and3A_109 = arith.andi %ne3A_105, %ne3A_108 : i1
      %sub3A_110 = arith.constant 1 : i32
      %sub3A_111 = arith.subi %div3A_90, %sub3A_110 : i32
      %select_n3A_112 = arith.select %and3A_109, %sub3A_111, %div3A_90 : i32
      %add3A_113 = arith.addi %mul3A_34, %select_n3A_112 : i32
      %rem3A_114 = arith.constant 8 : i32
      %rem3A_115 = arith.remsi %scan3A_86, %rem3A_114 : i32
      %jit3A_116 = arith.constant 8 : i32
      %div3A_117 = arith.divsi %add3A_113, %jit3A_116 : i32
      %sign3A_118 = arith.constant 0 : i32
      %sign3A_119 = arith.cmpi sgt, %add3A_113, %sign3A_118 : i32
      %sign3A_120 = arith.extui %sign3A_119 : i1 to i32
      %sign3A_121 = arith.constant 0 : i32
      %sign3A_122 = arith.cmpi slt, %add3A_113, %sign3A_121 : i32
      %sign3A_123 = arith.extui %sign3A_122 : i1 to i32
      %sign3A_124 = arith.subi %sign3A_120, %sign3A_123 : i32
      %sign3A_125 = arith.constant 0 : i32
      %sign3A_126 = arith.cmpi sgt, %jit3A_116, %sign3A_125 : i32
      %sign3A_127 = arith.extui %sign3A_126 : i1 to i32
      %sign3A_128 = arith.constant 0 : i32
      %sign3A_129 = arith.cmpi slt, %jit3A_116, %sign3A_128 : i32
      %sign3A_130 = arith.extui %sign3A_129 : i1 to i32
      %sign3A_131 = arith.subi %sign3A_127, %sign3A_130 : i32
      %ne3A_132 = arith.cmpi ne, %sign3A_124, %sign3A_131 : i32
      %rem3A_133 = arith.remsi %add3A_113, %jit3A_116 : i32
      %ne3A_134 = arith.constant 0 : i32
      %ne3A_135 = arith.cmpi ne, %rem3A_133, %ne3A_134 : i32
      %and3A_136 = arith.andi %ne3A_132, %ne3A_135 : i1
      %sub3A_137 = arith.constant 1 : i32
      %sub3A_138 = arith.subi %div3A_117, %sub3A_137 : i32
      %select_n3A_139 = arith.select %and3A_136, %sub3A_138, %div3A_117 : i32
      %mul3A_140 = arith.constant 8 : i32
      %mul3A_141 = arith.muli %select_n3A_139, %mul3A_140 : i32
      %multiple_of3A_142 = tpu.assume_multiple %mul3A_141, 8 : i32
      %eq3A_143 = arith.constant 0 : i32
      %eq3A_144 = arith.cmpi eq, %scan3A_86, %eq3A_143 : i32
      %eq3A_145 = arith.constant 0 : i32
      %eq3A_146 = arith.cmpi eq, %rem3A_115, %eq3A_145 : i32
      %eq3A_147 = arith.cmpi eq, %add3A_113, %multiple_of3A_142 : i32
      %and3A_148 = arith.andi %eq3A_146, %eq3A_147 : i1
      %or3A = arith.ori %eq3A_144, %and3A_148 : i1
      %convert_element_type3A = arith.extui %or3A : i1 to i32
      %cond3A = arith.constant 0 : i32
      %cond3A_149 = arith.cmpi ne, %convert_element_type3A, %cond3A : i32
      scf.if %cond3A_149 {
        "tpu.region"() ({
          %run_scoped3A = tpu.sem_alloc : memref<!tpu.dma_semaphore, #tpu.memory_space<semaphore_mem>>
          %dma_start3A_297 = tpu.memref_slice %arg3[%multiple_of3A_142, %multiple_of3A] : memref<200x4096xi32, #tpu.memory_space<hbm>> -> memref<8x1024xi32, #tpu.memory_space<hbm>>
          %dma_start3A_298 = tpu.memref_slice %arg3[%multiple_of3A_142, %multiple_of3A] : memref<200x4096xi32, #tpu.memory_space<hbm>> -> memref<8x1024xi32, #tpu.memory_space<hbm>>
          tpu.enqueue_dma source(%dma_start3A_298 : memref<8x1024xi32, #tpu.memory_space<hbm>>) target(%arg7 : memref<8x1024xi32, #tpu.memory_space<vmem>>) target_semaphore(%run_scoped3A : memref<!tpu.dma_semaphore, #tpu.memory_space<semaphore_mem>>)
          %dma_wait3A_299 = tpu.memref_slice %arg3[%multiple_of3A_142, %multiple_of3A] : memref<200x4096xi32, #tpu.memory_space<hbm>> -> memref<8x1024xi32, #tpu.memory_space<hbm>>
          %dma_wait3A_300 = tpu.memref_slice %arg3[%multiple_of3A_142, %multiple_of3A] : memref<200x4096xi32, #tpu.memory_space<hbm>> -> memref<8x1024xi32, #tpu.memory_space<hbm>>
          tpu.wait_dma2 semaphore(%run_scoped3A : memref<!tpu.dma_semaphore, #tpu.memory_space<semaphore_mem>>) src(%dma_wait3A_300 : memref<8x1024xi32, #tpu.memory_space<hbm>>) dst(%arg7 : memref<8x1024xi32, #tpu.memory_space<vmem>>)
          tpu.yield
        }) : () -> ()
      } else {
      }
      %eq3A_150 = arith.constant 0 : i32
      %eq3A_151 = arith.cmpi eq, %rem3A_115, %eq3A_150 : i32
      %convert_element_type3A_152 = arith.extui %eq3A_151 : i1 to i32
      %cond3A_153 = arith.constant 0 : i32
      %cond3A_154 = arith.cmpi ne, %convert_element_type3A_152, %cond3A_153 : i32
      scf.if %cond3A_154 {
        %sub3A_297 = arith.subi %add3A_113, %multiple_of3A_142 : i32
        %get3A = arith.index_cast %sub3A_297 : i32 to index
        %get3A_298 = arith.constant 0 : index
        %get3A_299 = tpu.vector_load %arg7[%get3A, %get3A_298] {strides = array<i32>} : memref<8x1024xi32, #tpu.memory_space<vmem>>, vector<16xi32>,
        %mul3A_300 = arith.constant 65 : i32
        %mul3A_301 = vector.broadcast %mul3A_300 : i32 to vector<16xi32>
        %mul3A_302 = arith.muli %get3A_299, %mul3A_301 : vector<16xi32>
        %swap3A = arith.constant 0 : index
        %swap3A_303 = tpu.vector_load %arg8[%swap3A] {strides = array<i32>} : memref<1024xi32, #tpu.memory_space<vmem>>, vector<16xi32>,
        tpu.vector_store %arg8[%swap3A], %mul3A_302 {strides = array<i32>} : memref<1024xi32, #tpu.memory_space<vmem>>, vector<16xi32>,
        %get3A_304 = arith.index_cast %sub3A_297 : i32 to index
        %get3A_305 = arith.constant 16 : index
        %get3A_306 = tpu.vector_load %arg7[%get3A_304, %get3A_305] {strides = array<i32>} : memref<8x1024xi32, #tpu.memory_space<vmem>>, vector<16xi32>,
        %mul3A_307 = arith.constant 65 : i32
        %mul3A_308 = vector.broadcast %mul3A_307 : i32 to vector<16xi32>
        %mul3A_309 = arith.muli %get3A_306, %mul3A_308 : vector<16xi32>
        %swap3A_310 = arith.constant 16 : index
        %swap3A_311 = tpu.vector_load %arg8[%swap3A_310] {strides = array<i32>} : memref<1024xi32, #tpu.memory_space<vmem>>, vector<16xi32>,
        tpu.vector_store %arg8[%swap3A_310], %mul3A_309 {strides = array<i32>} : memref<1024xi32, #tpu.memory_space<vmem>>, vector<16xi32>,
        %get3A_312 = arith.index_cast %sub3A_297 : i32 to index
        %get3A_313 = arith.constant 32 : index
        %get3A_314 = tpu.vector_load %arg7[%get3A_312, %get3A_313] {strides = array<i32>} : memref<8x1024xi32, #tpu.memory_space<vmem>>, vector<16xi32>,
        %mul3A_315 = arith.constant 65 : i32
        %mul3A_316 = vector.broadcast %mul3A_315 : i32 to vector<16xi32>
        %mul3A_317 = arith.muli %get3A_314, %mul3A_316 : vector<16xi32>
        %swap3A_318 = arith.constant 32 : index
        %swap3A_319 = tpu.vector_load %arg8[%swap3A_318] {strides = array<i32>} : memref<1024xi32, #tpu.memory_space<vmem>>, vector<16xi32>,
        tpu.vector_store %arg8[%swap3A_318], %mul3A_317 {strides = array<i32>} : memref<1024xi32, #tpu.memory_space<vmem>>, vector<16xi32>,
        %get3A_320 = arith.index_cast %sub3A_297 : i32 to index
        %get3A_321 = arith.constant 48 : index
        %get3A_322 = tpu.vector_load %arg7[%get3A_320, %get3A_321] {strides = array<i32>} : memref<8x1024xi32, #tpu.memory_space<vmem>>, vector<16xi32>,
        %mul3A_323 = arith.constant 65 : i32
        %mul3A_324 = vector.broadcast %mul3A_323 : i32 to vector<16xi32>
        %mul3A_325 = arith.muli %get3A_322, %mul3A_324 : vector<16xi32>
        %swap3A_326 = arith.constant 48 : index
        %swap3A_327 = tpu.vector_load %arg8[%swap3A_326] {strides = array<i32>} : memref<1024xi32, #tpu.memory_space<vmem>>, vector<16xi32>,
        tpu.vector_store %arg8[%swap3A_326], %mul3A_325 {strides = array<i32>} : memref<1024xi32, #tpu.memory_space<vmem>>, vector<16xi32>,
        %get3A_328 = arith.index_cast %sub3A_297 : i32 to index
        %get3A_329 = arith.constant 64 : index
        %get3A_330 = tpu.vector_load %arg7[%get3A_328, %get3A_329] {strides = array<i32>} : memref<8x1024xi32, #tpu.memory_space<vmem>>, vector<16xi32>,
        %mul3A_331 = arith.constant 65 : i32
        %mul3A_332 = vector.broadcast %mul3A_331 : i32 to vector<16xi32>
        %mul3A_333 = arith.muli %get3A_330, %mul3A_332 : vector<16xi32>
        %swap3A_334 = arith.constant 64 : index
        %swap3A_335 = tpu.vector_load %arg8[%swap3A_334] {strides = array<i32>} : memref<1024xi32, #tpu.memory_space<vmem>>, vector<16xi32>,
        tpu.vector_store %arg8[%swap3A_334], %mul3A_333 {strides = array<i32>} : memref<1024xi32, #tpu.memory_space<vmem>>, vector<16xi32>,
        %get3A_336 = arith.index_cast %sub3A_297 : i32 to index
        %get3A_337 = arith.constant 80 : index
        %get3A_338 = tpu.vector_load %arg7[%get3A_336, %get3A_337] {strides = array<i32>} : memref<8x1024xi32, #tpu.memory_space<vmem>>, vector<16xi32>,
        %mul3A_339 = arith.constant 65 : i32
        %mul3A_340 = vector.broadcast %mul3A_339 : i32 to vector<16xi32>
        %mul3A_341 = arith.muli %get3A_338, %mul3A_340 : vector<16xi32>
        %swap3A_342 = arith.constant 80 : index
        %swap3A_343 = tpu.vector_load %arg8[%swap3A_342] {strides = array<i32>} : memref<1024xi32, #tpu.memory_space<vmem>>, vector<16xi32>,
        tpu.vector_store %arg8[%swap3A_342], %mul3A_341 {strides = array<i32>} : memref<1024xi32, #tpu.memory_space<vmem>>, vector<16xi32>,
        %get3A_344 = arith.index_cast %sub3A_297 : i32 to index
        %get3A_345 = arith.constant 96 : index
        %get3A_346 = tpu.vector_load %arg7[%get3A_344, %get3A_345] {strides = array<i32>} : memref<8x1024xi32, #tpu.memory_space<vmem>>, vector<16xi32>,
        %mul3A_347 = arith.constant 65 : i32
        %mul3A_348 = vector.broadcast %mul3A_347 : i32 to vector<16xi32>
        %mul3A_349 = arith.muli %get3A_346, %mul3A_348 : vector<16xi32>
        %swap3A_350 = arith.constant 96 : index
        %swap3A_351 = tpu.vector_load %arg8[%swap3A_350] {strides = array<i32>} : memref<1024xi32, #tpu.memory_space<vmem>>, vector<16xi32>,
        tpu.vector_store %arg8[%swap3A_350], %mul3A_349 {strides = array<i32>} : memref<1024xi32, #tpu.memory_space<vmem>>, vector<16xi32>,
        %get3A_352 = arith.index_cast %sub3A_297 : i32 to index
        %get3A_353 = arith.constant 112 : index
        %get3A_354 = tpu.vector_load %arg7[%get3A_352, %get3A_353] {strides = array<i32>} : memref<8x1024xi32, #tpu.memory_space<vmem>>, vector<16xi32>,
        %mul3A_355 = arith.constant 65 : i32
        %mul3A_356 = vector.broadcast %mul3A_355 : i32 to vector<16xi32>
        %mul3A_357 = arith.muli %get3A_354, %mul3A_356 : vector<16xi32>
        %swap3A_358 = arith.constant 112 : index
        %swap3A_359 = tpu.vector_load %arg8[%swap3A_358] {strides = array<i32>} : memref<1024xi32, #tpu.memory_space<vmem>>, vector<16xi32>,
        tpu.vector_store %arg8[%swap3A_358], %mul3A_357 {strides = array<i32>} : memref<1024xi32, #tpu.memory_space<vmem>>, vector<16xi32>,
        %get3A_360 = arith.index_cast %sub3A_297 : i32 to index
        %get3A_361 = arith.constant 128 : index
        %get3A_362 = tpu.vector_load %arg7[%get3A_360, %get3A_361] {strides = array<i32>} : memref<8x1024xi32, #tpu.memory_space<vmem>>, vector<16xi32>,
        %mul3A_363 = arith.constant 65 : i32
        %mul3A_364 = vector.broadcast %mul3A_363 : i32 to vector<16xi32>
        %mul3A_365 = arith.muli %get3A_362, %mul3A_364 : vector<16xi32>
        %swap3A_366 = arith.constant 128 : index
        %swap3A_367 = tpu.vector_load %arg8[%swap3A_366] {strides = array<i32>} : memref<1024xi32, #tpu.memory_space<vmem>>, vector<16xi32>,
        tpu.vector_store %arg8[%swap3A_366], %mul3A_365 {strides = array<i32>} : memref<1024xi32, #tpu.memory_space<vmem>>, vector<16xi32>,
        %get3A_368 = arith.index_cast %sub3A_297 : i32 to index
        %get3A_369 = arith.constant 144 : index
        %get3A_370 = tpu.vector_load %arg7[%get3A_368, %get3A_369] {strides = array<i32>} : memref<8x1024xi32, #tpu.memory_space<vmem>>, vector<16xi32>,
        %mul3A_371 = arith.constant 65 : i32
        %mul3A_372 = vector.broadcast %mul3A_371 : i32 to vector<16xi32>
        %mul3A_373 = arith.muli %get3A_370, %mul3A_372 : vector<16xi32>
        %swap3A_374 = arith.constant 144 : index
        %swap3A_375 = tpu.vector_load %arg8[%swap3A_374] {strides = array<i32>} : memref<1024xi32, #tpu.memory_space<vmem>>, vector<16xi32>,
        tpu.vector_store %arg8[%swap3A_374], %mul3A_373 {strides = array<i32>} : memref<1024xi32, #tpu.memory_space<vmem>>, vector<16xi32>,
        %get3A_376 = arith.index_cast %sub3A_297 : i32 to index
        %get3A_377 = arith.constant 160 : index
        %get3A_378 = tpu.vector_load %arg7[%get3A_376, %get3A_377] {strides = array<i32>} : memref<8x1024xi32, #tpu.memory_space<vmem>>, vector<16xi32>,
        %mul3A_379 = arith.constant 65 : i32
        %mul3A_380 = vector.broadcast %mul3A_379 : i32 to vector<16xi32>
        %mul3A_381 = arith.muli %get3A_378, %mul3A_380 : vector<16xi32>
        %swap3A_382 = arith.constant 160 : index
        %swap3A_383 = tpu.vector_load %arg8[%swap3A_382] {strides = array<i32>} : memref<1024xi32, #tpu.memory_space<vmem>>, vector<16xi32>,
        tpu.vector_store %arg8[%swap3A_382], %mul3A_381 {strides = array<i32>} : memref<1024xi32, #tpu.memory_space<vmem>>, vector<16xi32>,
        %get3A_384 = arith.index_cast %sub3A_297 : i32 to index
        %get3A_385 = arith.constant 176 : index
        %get3A_386 = tpu.vector_load %arg7[%get3A_384, %get3A_385] {strides = array<i32>} : memref<8x1024xi32, #tpu.memory_space<vmem>>, vector<16xi32>,
        %mul3A_387 = arith.constant 65 : i32
        %mul3A_388 = vector.broadcast %mul3A_387 : i32 to vector<16xi32>
        %mul3A_389 = arith.muli %get3A_386, %mul3A_388 : vector<16xi32>
        %swap3A_390 = arith.constant 176 : index
        %swap3A_391 = tpu.vector_load %arg8[%swap3A_390] {strides = array<i32>} : memref<1024xi32, #tpu.memory_space<vmem>>, vector<16xi32>,
        tpu.vector_store %arg8[%swap3A_390], %mul3A_389 {strides = array<i32>} : memref<1024xi32, #tpu.memory_space<vmem>>, vector<16xi32>,
        %get3A_392 = arith.index_cast %sub3A_297 : i32 to index
        %get3A_393 = arith.constant 192 : index
        %get3A_394 = tpu.vector_load %arg7[%get3A_392, %get3A_393] {strides = array<i32>} : memref<8x1024xi32, #tpu.memory_space<vmem>>, vector<16xi32>,
        %mul3A_395 = arith.constant 65 : i32
        %mul3A_396 = vector.broadcast %mul3A_395 : i32 to vector<16xi32>
        %mul3A_397 = arith.muli %get3A_394, %mul3A_396 : vector<16xi32>
        %swap3A_398 = arith.constant 192 : index
        %swap3A_399 = tpu.vector_load %arg8[%swap3A_398] {strides = array<i32>} : memref<1024xi32, #tpu.memory_space<vmem>>, vector<16xi32>,
        tpu.vector_store %arg8[%swap3A_398], %mul3A_397 {strides = array<i32>} : memref<1024xi32, #tpu.memory_space<vmem>>, vector<16xi32>,
        %get3A_400 = arith.index_cast %sub3A_297 : i32 to index
        %get3A_401 = arith.constant 208 : index
        %get3A_402 = tpu.vector_load %arg7[%get3A_400, %get3A_401] {strides = array<i32>} : memref<8x1024xi32, #tpu.memory_space<vmem>>, vector<16xi32>,
        %mul3A_403 = arith.constant 65 : i32
        %mul3A_404 = vector.broadcast %mul3A_403 : i32 to vector<16xi32>
        %mul3A_405 = arith.muli %get3A_402, %mul3A_404 : vector<16xi32>
        %swap3A_406 = arith.constant 208 : index
        %swap3A_407 = tpu.vector_load %arg8[%swap3A_406] {strides = array<i32>} : memref<1024xi32, #tpu.memory_space<vmem>>, vector<16xi32>,
        tpu.vector_store %arg8[%swap3A_406], %mul3A_405 {strides = array<i32>} : memref<1024xi32, #tpu.memory_space<vmem>>, vector<16xi32>,
        %get3A_408 = arith.index_cast %sub3A_297 : i32 to index
        %get3A_409 = arith.constant 224 : index
        %get3A_410 = tpu.vector_load %arg7[%get3A_408, %get3A_409] {strides = array<i32>} : memref<8x1024xi32, #tpu.memory_space<vmem>>, vector<16xi32>,
        %mul3A_411 = arith.constant 65 : i32
        %mul3A_412 = vector.broadcast %mul3A_411 : i32 to vector<16xi32>
        %mul3A_413 = arith.muli %get3A_410, %mul3A_412 : vector<16xi32>
        %swap3A_414 = arith.constant 224 : index
        %swap3A_415 = tpu.vector_load %arg8[%swap3A_414] {strides = array<i32>} : memref<1024xi32, #tpu.memory_space<vmem>>, vector<16xi32>,
        tpu.vector_store %arg8[%swap3A_414], %mul3A_413 {strides = array<i32>} : memref<1024xi32, #tpu.memory_space<vmem>>, vector<16xi32>,
        %get3A_416 = arith.index_cast %sub3A_297 : i32 to index
        %get3A_417 = arith.constant 240 : index
        %get3A_418 = tpu.vector_load %arg7[%get3A_416, %get3A_417] {strides = array<i32>} : memref<8x1024xi32, #tpu.memory_space<vmem>>, vector<16xi32>,
        %mul3A_419 = arith.constant 65 : i32
        %mul3A_420 = vector.broadcast %mul3A_419 : i32 to vector<16xi32>
        %mul3A_421 = arith.muli %get3A_418, %mul3A_420 : vector<16xi32>
        %swap3A_422 = arith.constant 240 : index
        %swap3A_423 = tpu.vector_load %arg8[%swap3A_422] {strides = array<i32>} : memref<1024xi32, #tpu.memory_space<vmem>>, vector<16xi32>,
        tpu.vector_store %arg8[%swap3A_422], %mul3A_421 {strides = array<i32>} : memref<1024xi32, #tpu.memory_space<vmem>>, vector<16xi32>,
        %get3A_424 = arith.index_cast %sub3A_297 : i32 to index
        %get3A_425 = arith.constant 256 : index
        %get3A_426 = tpu.vector_load %arg7[%get3A_424, %get3A_425] {strides = array<i32>} : memref<8x1024xi32, #tpu.memory_space<vmem>>, vector<16xi32>,
        %mul3A_427 = arith.constant 65 : i32
        %mul3A_428 = vector.broadcast %mul3A_427 : i32 to vector<16xi32>
        %mul3A_429 = arith.muli %get3A_426, %mul3A_428 : vector<16xi32>
        %swap3A_430 = arith.constant 256 : index
        %swap3A_431 = tpu.vector_load %arg8[%swap3A_430] {strides = array<i32>} : memref<1024xi32, #tpu.memory_space<vmem>>, vector<16xi32>,
        tpu.vector_store %arg8[%swap3A_430], %mul3A_429 {strides = array<i32>} : memref<1024xi32, #tpu.memory_space<vmem>>, vector<16xi32>,
        %get3A_432 = arith.index_cast %sub3A_297 : i32 to index
        %get3A_433 = arith.constant 272 : index
        %get3A_434 = tpu.vector_load %arg7[%get3A_432, %get3A_433] {strides = array<i32>} : memref<8x1024xi32, #tpu.memory_space<vmem>>, vector<16xi32>,
        %mul3A_435 = arith.constant 65 : i32
        %mul3A_436 = vector.broadcast %mul3A_435 : i32 to vector<16xi32>
        %mul3A_437 = arith.muli %get3A_434, %mul3A_436 : vector<16xi32>
        %swap3A_438 = arith.constant 272 : index
        %swap3A_439 = tpu.vector_load %arg8[%swap3A_438] {strides = array<i32>} : memref<1024xi32, #tpu.memory_space<vmem>>, vector<16xi32>,
        tpu.vector_store %arg8[%swap3A_438], %mul3A_437 {strides = array<i32>} : memref<1024xi32, #tpu.memory_space<vmem>>, vector<16xi32>,
        %get3A_440 = arith.index_cast %sub3A_297 : i32 to index
        %get3A_441 = arith.constant 288 : index
        %get3A_442 = tpu.vector_load %arg7[%get3A_440, %get3A_441] {strides = array<i32>} : memref<8x1024xi32, #tpu.memory_space<vmem>>, vector<16xi32>,
        %mul3A_443 = arith.constant 65 : i32
        %mul3A_444 = vector.broadcast %mul3A_443 : i32 to vector<16xi32>
        %mul3A_445 = arith.muli %get3A_442, %mul3A_444 : vector<16xi32>
        %swap3A_446 = arith.constant 288 : index
        %swap3A_447 = tpu.vector_load %arg8[%swap3A_446] {strides = array<i32>} : memref<1024xi32, #tpu.memory_space<vmem>>, vector<16xi32>,
        tpu.vector_store %arg8[%swap3A_446], %mul3A_445 {strides = array<i32>} : memref<1024xi32, #tpu.memory_space<vmem>>, vector<16xi32>,
        %get3A_448 = arith.index_cast %sub3A_297 : i32 to index
        %get3A_449 = arith.constant 304 : index
        %get3A_450 = tpu.vector_load %arg7[%get3A_448, %get3A_449] {strides = array<i32>} : memref<8x1024xi32, #tpu.memory_space<vmem>>, vector<16xi32>,
        %mul3A_451 = arith.constant 65 : i32
        %mul3A_452 = vector.broadcast %mul3A_451 : i32 to vector<16xi32>
        %mul3A_453 = arith.muli %get3A_450, %mul3A_452 : vector<16xi32>
        %swap3A_454 = arith.constant 304 : index
        %swap3A_455 = tpu.vector_load %arg8[%swap3A_454] {strides = array<i32>} : memref<1024xi32, #tpu.memory_space<vmem>>, vector<16xi32>,
        tpu.vector_store %arg8[%swap3A_454], %mul3A_453 {strides = array<i32>} : memref<1024xi32, #tpu.memory_space<vmem>>, vector<16xi32>,
        %get3A_456 = arith.index_cast %sub3A_297 : i32 to index
        %get3A_457 = arith.constant 320 : index
        %get3A_458 = tpu.vector_load %arg7[%get3A_456, %get3A_457] {strides = array<i32>} : memref<8x1024xi32, #tpu.memory_space<vmem>>, vector<16xi32>,
        %mul3A_459 = arith.constant 65 : i32
        %mul3A_460 = vector.broadcast %mul3A_459 : i32 to vector<16xi32>
        %mul3A_461 = arith.muli %get3A_458, %mul3A_460 : vector<16xi32>
        %swap3A_462 = arith.constant 320 : index
        %swap3A_463 = tpu.vector_load %arg8[%swap3A_462] {strides = array<i32>} : memref<1024xi32, #tpu.memory_space<vmem>>, vector<16xi32>,
        tpu.vector_store %arg8[%swap3A_462], %mul3A_461 {strides = array<i32>} : memref<1024xi32, #tpu.memory_space<vmem>>, vector<16xi32>,
        %get3A_464 = arith.index_cast %sub3A_297 : i32 to index
        %get3A_465 = arith.constant 336 : index
        %get3A_466 = tpu.vector_load %arg7[%get3A_464, %get3A_465] {strides = array<i32>} : memref<8x1024xi32, #tpu.memory_space<vmem>>, vector<16xi32>,
        %mul3A_467 = arith.constant 65 : i32
        %mul3A_468 = vector.broadcast %mul3A_467 : i32 to vector<16xi32>
        %mul3A_469 = arith.muli %get3A_466, %mul3A_468 : vector<16xi32>
        %swap3A_470 = arith.constant 336 : index
        %swap3A_471 = tpu.vector_load %arg8[%swap3A_470] {strides = array<i32>} : memref<1024xi32, #tpu.memory_space<vmem>>, vector<16xi32>,
        tpu.vector_store %arg8[%swap3A_470], %mul3A_469 {strides = array<i32>} : memref<1024xi32, #tpu.memory_space<vmem>>, vector<16xi32>,
        %get3A_472 = arith.index_cast %sub3A_297 : i32 to index
        %get3A_473 = arith.constant 352 : index
        %get3A_474 = tpu.vector_load %arg7[%get3A_472, %get3A_473] {strides = array<i32>} : memref<8x1024xi32, #tpu.memory_space<vmem>>, vector<16xi32>,
        %mul3A_475 = arith.constant 65 : i32
        %mul3A_476 = vector.broadcast %mul3A_475 : i32 to vector<16xi32>
        %mul3A_477 = arith.muli %get3A_474, %mul3A_476 : vector<16xi32>
        %swap3A_478 = arith.constant 352 : index
        %swap3A_479 = tpu.vector_load %arg8[%swap3A_478] {strides = array<i32>} : memref<1024xi32, #tpu.memory_space<vmem>>, vector<16xi32>,
        tpu.vector_store %arg8[%swap3A_478], %mul3A_477 {strides = array<i32>} : memref<1024xi32, #tpu.memory_space<vmem>>, vector<16xi32>,
        %get3A_480 = arith.index_cast %sub3A_297 : i32 to index
        %get3A_481 = arith.constant 368 : index
        %get3A_482 = tpu.vector_load %arg7[%get3A_480, %get3A_481] {strides = array<i32>} : memref<8x1024xi32, #tpu.memory_space<vmem>>, vector<16xi32>,
        %mul3A_483 = arith.constant 65 : i32
        %mul3A_484 = vector.broadcast %mul3A_483 : i32 to vector<16xi32>
        %mul3A_485 = arith.muli %get3A_482, %mul3A_484 : vector<16xi32>
        %swap3A_486 = arith.constant 368 : index
        %swap3A_487 = tpu.vector_load %arg8[%swap3A_486] {strides = array<i32>} : memref<1024xi32, #tpu.memory_space<vmem>>, vector<16xi32>,
        tpu.vector_store %arg8[%swap3A_486], %mul3A_485 {strides = array<i32>} : memref<1024xi32, #tpu.memory_space<vmem>>, vector<16xi32>,
        %get3A_488 = arith.index_cast %sub3A_297 : i32 to index
        %get3A_489 = arith.constant 384 : index
        %get3A_490 = tpu.vector_load %arg7[%get3A_488, %get3A_489] {strides = array<i32>} : memref<8x1024xi32, #tpu.memory_space<vmem>>, vector<16xi32>,
        %mul3A_491 = arith.constant 65 : i32
        %mul3A_492 = vector.broadcast %mul3A_491 : i32 to vector<16xi32>
        %mul3A_493 = arith.muli %get3A_490, %mul3A_492 : vector<16xi32>
        %swap3A_494 = arith.constant 384 : index
        %swap3A_495 = tpu.vector_load %arg8[%swap3A_494] {strides = array<i32>} : memref<1024xi32, #tpu.memory_space<vmem>>, vector<16xi32>,
        tpu.vector_store %arg8[%swap3A_494], %mul3A_493 {strides = array<i32>} : memref<1024xi32, #tpu.memory_space<vmem>>, vector<16xi32>,
        %get3A_496 = arith.index_cast %sub3A_297 : i32 to index
        %get3A_497 = arith.constant 400 : index
        %get3A_498 = tpu.vector_load %arg7[%get3A_496, %get3A_497] {strides = array<i32>} : memref<8x1024xi32, #tpu.memory_space<vmem>>, vector<16xi32>,
        %mul3A_499 = arith.constant 65 : i32
        %mul3A_500 = vector.broadcast %mul3A_499 : i32 to vector<16xi32>
        %mul3A_501 = arith.muli %get3A_498, %mul3A_500 : vector<16xi32>
        %swap3A_502 = arith.constant 400 : index
        %swap3A_503 = tpu.vector_load %arg8[%swap3A_502] {strides = array<i32>} : memref<1024xi32, #tpu.memory_space<vmem>>, vector<16xi32>,
        tpu.vector_store %arg8[%swap3A_502], %mul3A_501 {strides = array<i32>} : memref<1024xi32, #tpu.memory_space<vmem>>, vector<16xi32>,
        %get3A_504 = arith.index_cast %sub3A_297 : i32 to index
        %get3A_505 = arith.constant 416 : index
        %get3A_506 = tpu.vector_load %arg7[%get3A_504, %get3A_505] {strides = array<i32>} : memref<8x1024xi32, #tpu.memory_space<vmem>>, vector<16xi32>,
        %mul3A_507 = arith.constant 65 : i32
        %mul3A_508 = vector.broadcast %mul3A_507 : i32 to vector<16xi32>
        %mul3A_509 = arith.muli %get3A_506, %mul3A_508 : vector<16xi32>
        %swap3A_510 = arith.constant 416 : index
        %swap3A_511 = tpu.vector_load %arg8[%swap3A_510] {strides = array<i32>} : memref<1024xi32, #tpu.memory_space<vmem>>, vector<16xi32>,
        tpu.vector_store %arg8[%swap3A_510], %mul3A_509 {strides = array<i32>} : memref<1024xi32, #tpu.memory_space<vmem>>, vector<16xi32>,
        %get3A_512 = arith.index_cast %sub3A_297 : i32 to index
        %get3A_513 = arith.constant 432 : index
        %get3A_514 = tpu.vector_load %arg7[%get3A_512, %get3A_513] {strides = array<i32>} : memref<8x1024xi32, #tpu.memory_space<vmem>>, vector<16xi32>,
        %mul3A_515 = arith.constant 65 : i32
        %mul3A_516 = vector.broadcast %mul3A_515 : i32 to vector<16xi32>
        %mul3A_517 = arith.muli %get3A_514, %mul3A_516 : vector<16xi32>
        %swap3A_518 = arith.constant 432 : index
        %swap3A_519 = tpu.vector_load %arg8[%swap3A_518] {strides = array<i32>} : memref<1024xi32, #tpu.memory_space<vmem>>, vector<16xi32>,
        tpu.vector_store %arg8[%swap3A_518], %mul3A_517 {strides = array<i32>} : memref<1024xi32, #tpu.memory_space<vmem>>, vector<16xi32>,
        %get3A_520 = arith.index_cast %sub3A_297 : i32 to index
        %get3A_521 = arith.constant 448 : index
        %get3A_522 = tpu.vector_load %arg7[%get3A_520, %get3A_521] {strides = array<i32>} : memref<8x1024xi32, #tpu.memory_space<vmem>>, vector<16xi32>,
        %mul3A_523 = arith.constant 65 : i32
        %mul3A_524 = vector.broadcast %mul3A_523 : i32 to vector<16xi32>
        %mul3A_525 = arith.muli %get3A_522, %mul3A_524 : vector<16xi32>
        %swap3A_526 = arith.constant 448 : index
        %swap3A_527 = tpu.vector_load %arg8[%swap3A_526] {strides = array<i32>} : memref<1024xi32, #tpu.memory_space<vmem>>, vector<16xi32>,
        tpu.vector_store %arg8[%swap3A_526], %mul3A_525 {strides = array<i32>} : memref<1024xi32, #tpu.memory_space<vmem>>, vector<16xi32>,
        %get3A_528 = arith.index_cast %sub3A_297 : i32 to index
        %get3A_529 = arith.constant 464 : index
        %get3A_530 = tpu.vector_load %arg7[%get3A_528, %get3A_529] {strides = array<i32>} : memref<8x1024xi32, #tpu.memory_space<vmem>>, vector<16xi32>,
        %mul3A_531 = arith.constant 65 : i32
        %mul3A_532 = vector.broadcast %mul3A_531 : i32 to vector<16xi32>
        %mul3A_533 = arith.muli %get3A_530, %mul3A_532 : vector<16xi32>
        %swap3A_534 = arith.constant 464 : index
        %swap3A_535 = tpu.vector_load %arg8[%swap3A_534] {strides = array<i32>} : memref<1024xi32, #tpu.memory_space<vmem>>, vector<16xi32>,
        tpu.vector_store %arg8[%swap3A_534], %mul3A_533 {strides = array<i32>} : memref<1024xi32, #tpu.memory_space<vmem>>, vector<16xi32>,
        %get3A_536 = arith.index_cast %sub3A_297 : i32 to index
        %get3A_537 = arith.constant 480 : index
        %get3A_538 = tpu.vector_load %arg7[%get3A_536, %get3A_537] {strides = array<i32>} : memref<8x1024xi32, #tpu.memory_space<vmem>>, vector<16xi32>,
        %mul3A_539 = arith.constant 65 : i32
        %mul3A_540 = vector.broadcast %mul3A_539 : i32 to vector<16xi32>
        %mul3A_541 = arith.muli %get3A_538, %mul3A_540 : vector<16xi32>
        %swap3A_542 = arith.constant 480 : index
        %swap3A_543 = tpu.vector_load %arg8[%swap3A_542] {strides = array<i32>} : memref<1024xi32, #tpu.memory_space<vmem>>, vector<16xi32>,
        tpu.vector_store %arg8[%swap3A_542], %mul3A_541 {strides = array<i32>} : memref<1024xi32, #tpu.memory_space<vmem>>, vector<16xi32>,
        %get3A_544 = arith.index_cast %sub3A_297 : i32 to index
        %get3A_545 = arith.constant 496 : index
        %get3A_546 = tpu.vector_load %arg7[%get3A_544, %get3A_545] {strides = array<i32>} : memref<8x1024xi32, #tpu.memory_space<vmem>>, vector<16xi32>,
        %mul3A_547 = arith.constant 65 : i32
        %mul3A_548 = vector.broadcast %mul3A_547 : i32 to vector<16xi32>
        %mul3A_549 = arith.muli %get3A_546, %mul3A_548 : vector<16xi32>
        %swap3A_550 = arith.constant 496 : index
        %swap3A_551 = tpu.vector_load %arg8[%swap3A_550] {strides = array<i32>} : memref<1024xi32, #tpu.memory_space<vmem>>, vector<16xi32>,
        tpu.vector_store %arg8[%swap3A_550], %mul3A_549 {strides = array<i32>} : memref<1024xi32, #tpu.memory_space<vmem>>, vector<16xi32>,
        %get3A_552 = arith.index_cast %sub3A_297 : i32 to index
        %get3A_553 = arith.constant 512 : index
        %get3A_554 = tpu.vector_load %arg7[%get3A_552, %get3A_553] {strides = array<i32>} : memref<8x1024xi32, #tpu.memory_space<vmem>>, vector<16xi32>,
        %mul3A_555 = arith.constant 65 : i32
        %mul3A_556 = vector.broadcast %mul3A_555 : i32 to vector<16xi32>
        %mul3A_557 = arith.muli %get3A_554, %mul3A_556 : vector<16xi32>
        %swap3A_558 = arith.constant 512 : index
        %swap3A_559 = tpu.vector_load %arg8[%swap3A_558] {strides = array<i32>} : memref<1024xi32, #tpu.memory_space<vmem>>, vector<16xi32>,
        tpu.vector_store %arg8[%swap3A_558], %mul3A_557 {strides = array<i32>} : memref<1024xi32, #tpu.memory_space<vmem>>, vector<16xi32>,
        %get3A_560 = arith.index_cast %sub3A_297 : i32 to index
        %get3A_561 = arith.constant 528 : index
        %get3A_562 = tpu.vector_load %arg7[%get3A_560, %get3A_561] {strides = array<i32>} : memref<8x1024xi32, #tpu.memory_space<vmem>>, vector<16xi32>,
        %mul3A_563 = arith.constant 65 : i32
        %mul3A_564 = vector.broadcast %mul3A_563 : i32 to vector<16xi32>
        %mul3A_565 = arith.muli %get3A_562, %mul3A_564 : vector<16xi32>
        %swap3A_566 = arith.constant 528 : index
        %swap3A_567 = tpu.vector_load %arg8[%swap3A_566] {strides = array<i32>} : memref<1024xi32, #tpu.memory_space<vmem>>, vector<16xi32>,
        tpu.vector_store %arg8[%swap3A_566], %mul3A_565 {strides = array<i32>} : memref<1024xi32, #tpu.memory_space<vmem>>, vector<16xi32>,
        %get3A_568 = arith.index_cast %sub3A_297 : i32 to index
        %get3A_569 = arith.constant 544 : index
        %get3A_570 = tpu.vector_load %arg7[%get3A_568, %get3A_569] {strides = array<i32>} : memref<8x1024xi32, #tpu.memory_space<vmem>>, vector<16xi32>,
        %mul3A_571 = arith.constant 65 : i32
        %mul3A_572 = vector.broadcast %mul3A_571 : i32 to vector<16xi32>
        %mul3A_573 = arith.muli %get3A_570, %mul3A_572 : vector<16xi32>
        %swap3A_574 = arith.constant 544 : index
        %swap3A_575 = tpu.vector_load %arg8[%swap3A_574] {strides = array<i32>} : memref<1024xi32, #tpu.memory_space<vmem>>, vector<16xi32>,
        tpu.vector_store %arg8[%swap3A_574], %mul3A_573 {strides = array<i32>} : memref<1024xi32, #tpu.memory_space<vmem>>, vector<16xi32>,
        %get3A_576 = arith.index_cast %sub3A_297 : i32 to index
        %get3A_577 = arith.constant 560 : index
        %get3A_578 = tpu.vector_load %arg7[%get3A_576, %get3A_577] {strides = array<i32>} : memref<8x1024xi32, #tpu.memory_space<vmem>>, vector<16xi32>,
        %mul3A_579 = arith.constant 65 : i32
        %mul3A_580 = vector.broadcast %mul3A_579 : i32 to vector<16xi32>
        %mul3A_581 = arith.muli %get3A_578, %mul3A_580 : vector<16xi32>
        %swap3A_582 = arith.constant 560 : index
        %swap3A_583 = tpu.vector_load %arg8[%swap3A_582] {strides = array<i32>} : memref<1024xi32, #tpu.memory_space<vmem>>, vector<16xi32>,
        tpu.vector_store %arg8[%swap3A_582], %mul3A_581 {strides = array<i32>} : memref<1024xi32, #tpu.memory_space<vmem>>, vector<16xi32>,
        %get3A_584 = arith.index_cast %sub3A_297 : i32 to index
        %get3A_585 = arith.constant 576 : index
        %get3A_586 = tpu.vector_load %arg7[%get3A_584, %get3A_585] {strides = array<i32>} : memref<8x1024xi32, #tpu.memory_space<vmem>>, vector<16xi32>,
        %mul3A_587 = arith.constant 65 : i32
        %mul3A_588 = vector.broadcast %mul3A_587 : i32 to vector<16xi32>
        %mul3A_589 = arith.muli %get3A_586, %mul3A_588 : vector<16xi32>
        %swap3A_590 = arith.constant 576 : index
        %swap3A_591 = tpu.vector_load %arg8[%swap3A_590] {strides = array<i32>} : memref<1024xi32, #tpu.memory_space<vmem>>, vector<16xi32>,
        tpu.vector_store %arg8[%swap3A_590], %mul3A_589 {strides = array<i32>} : memref<1024xi32, #tpu.memory_space<vmem>>, vector<16xi32>,
        %get3A_592 = arith.index_cast %sub3A_297 : i32 to index
        %get3A_593 = arith.constant 592 : index
        %get3A_594 = tpu.vector_load %arg7[%get3A_592, %get3A_593] {strides = array<i32>} : memref<8x1024xi32, #tpu.memory_space<vmem>>, vector<16xi32>,
        %mul3A_595 = arith.constant 65 : i32
        %mul3A_596 = vector.broadcast %mul3A_595 : i32 to vector<16xi32>
        %mul3A_597 = arith.muli %get3A_594, %mul3A_596 : vector<16xi32>
        %swap3A_598 = arith.constant 592 : index
        %swap3A_599 = tpu.vector_load %arg8[%swap3A_598] {strides = array<i32>} : memref<1024xi32, #tpu.memory_space<vmem>>, vector<16xi32>,
        tpu.vector_store %arg8[%swap3A_598], %mul3A_597 {strides = array<i32>} : memref<1024xi32, #tpu.memory_space<vmem>>, vector<16xi32>,
        %get3A_600 = arith.index_cast %sub3A_297 : i32 to index
        %get3A_601 = arith.constant 608 : index
        %get3A_602 = tpu.vector_load %arg7[%get3A_600, %get3A_601] {strides = array<i32>} : memref<8x1024xi32, #tpu.memory_space<vmem>>, vector<16xi32>,
        %mul3A_603 = arith.constant 65 : i32
        %mul3A_604 = vector.broadcast %mul3A_603 : i32 to vector<16xi32>
        %mul3A_605 = arith.muli %get3A_602, %mul3A_604 : vector<16xi32>
        %swap3A_606 = arith.constant 608 : index
        %swap3A_607 = tpu.vector_load %arg8[%swap3A_606] {strides = array<i32>} : memref<1024xi32, #tpu.memory_space<vmem>>, vector<16xi32>,
        tpu.vector_store %arg8[%swap3A_606], %mul3A_605 {strides = array<i32>} : memref<1024xi32, #tpu.memory_space<vmem>>, vector<16xi32>,
        %get3A_608 = arith.index_cast %sub3A_297 : i32 to index
        %get3A_609 = arith.constant 624 : index
        %get3A_610 = tpu.vector_load %arg7[%get3A_608, %get3A_609] {strides = array<i32>} : memref<8x1024xi32, #tpu.memory_space<vmem>>, vector<16xi32>,
        %mul3A_611 = arith.constant 65 : i32
        %mul3A_612 = vector.broadcast %mul3A_611 : i32 to vector<16xi32>
        %mul3A_613 = arith.muli %get3A_610, %mul3A_612 : vector<16xi32>
        %swap3A_614 = arith.constant 624 : index
        %swap3A_615 = tpu.vector_load %arg8[%swap3A_614] {strides = array<i32>} : memref<1024xi32, #tpu.memory_space<vmem>>, vector<16xi32>,
        tpu.vector_store %arg8[%swap3A_614], %mul3A_613 {strides = array<i32>} : memref<1024xi32, #tpu.memory_space<vmem>>, vector<16xi32>,
        %get3A_616 = arith.index_cast %sub3A_297 : i32 to index
        %get3A_617 = arith.constant 640 : index
        %get3A_618 = tpu.vector_load %arg7[%get3A_616, %get3A_617] {strides = array<i32>} : memref<8x1024xi32, #tpu.memory_space<vmem>>, vector<16xi32>,
        %mul3A_619 = arith.constant 65 : i32
        %mul3A_620 = vector.broadcast %mul3A_619 : i32 to vector<16xi32>
        %mul3A_621 = arith.muli %get3A_618, %mul3A_620 : vector<16xi32>
        %swap3A_622 = arith.constant 640 : index
        %swap3A_623 = tpu.vector_load %arg8[%swap3A_622] {strides = array<i32>} : memref<1024xi32, #tpu.memory_space<vmem>>, vector<16xi32>,
        tpu.vector_store %arg8[%swap3A_622], %mul3A_621 {strides = array<i32>} : memref<1024xi32, #tpu.memory_space<vmem>>, vector<16xi32>,
        %get3A_624 = arith.index_cast %sub3A_297 : i32 to index
        %get3A_625 = arith.constant 656 : index
        %get3A_626 = tpu.vector_load %arg7[%get3A_624, %get3A_625] {strides = array<i32>} : memref<8x1024xi32, #tpu.memory_space<vmem>>, vector<16xi32>,
        %mul3A_627 = arith.constant 65 : i32
        %mul3A_628 = vector.broadcast %mul3A_627 : i32 to vector<16xi32>
        %mul3A_629 = arith.muli %get3A_626, %mul3A_628 : vector<16xi32>
        %swap3A_630 = arith.constant 656 : index
        %swap3A_631 = tpu.vector_load %arg8[%swap3A_630] {strides = array<i32>} : memref<1024xi32, #tpu.memory_space<vmem>>, vector<16xi32>,
        tpu.vector_store %arg8[%swap3A_630], %mul3A_629 {strides = array<i32>} : memref<1024xi32, #tpu.memory_space<vmem>>, vector<16xi32>,
        %get3A_632 = arith.index_cast %sub3A_297 : i32 to index
        %get3A_633 = arith.constant 672 : index
        %get3A_634 = tpu.vector_load %arg7[%get3A_632, %get3A_633] {strides = array<i32>} : memref<8x1024xi32, #tpu.memory_space<vmem>>, vector<16xi32>,
        %mul3A_635 = arith.constant 65 : i32
        %mul3A_636 = vector.broadcast %mul3A_635 : i32 to vector<16xi32>
        %mul3A_637 = arith.muli %get3A_634, %mul3A_636 : vector<16xi32>
        %swap3A_638 = arith.constant 672 : index
        %swap3A_639 = tpu.vector_load %arg8[%swap3A_638] {strides = array<i32>} : memref<1024xi32, #tpu.memory_space<vmem>>, vector<16xi32>,
        tpu.vector_store %arg8[%swap3A_638], %mul3A_637 {strides = array<i32>} : memref<1024xi32, #tpu.memory_space<vmem>>, vector<16xi32>,
        %get3A_640 = arith.index_cast %sub3A_297 : i32 to index
        %get3A_641 = arith.constant 688 : index
        %get3A_642 = tpu.vector_load %arg7[%get3A_640, %get3A_641] {strides = array<i32>} : memref<8x1024xi32, #tpu.memory_space<vmem>>, vector<16xi32>,
        %mul3A_643 = arith.constant 65 : i32
        %mul3A_644 = vector.broadcast %mul3A_643 : i32 to vector<16xi32>
        %mul3A_645 = arith.muli %get3A_642, %mul3A_644 : vector<16xi32>
        %swap3A_646 = arith.constant 688 : index
        %swap3A_647 = tpu.vector_load %arg8[%swap3A_646] {strides = array<i32>} : memref<1024xi32, #tpu.memory_space<vmem>>, vector<16xi32>,
        tpu.vector_store %arg8[%swap3A_646], %mul3A_645 {strides = array<i32>} : memref<1024xi32, #tpu.memory_space<vmem>>, vector<16xi32>,
        %get3A_648 = arith.index_cast %sub3A_297 : i32 to index
        %get3A_649 = arith.constant 704 : index
        %get3A_650 = tpu.vector_load %arg7[%get3A_648, %get3A_649] {strides = array<i32>} : memref<8x1024xi32, #tpu.memory_space<vmem>>, vector<16xi32>,
        %mul3A_651 = arith.constant 65 : i32
        %mul3A_652 = vector.broadcast %mul3A_651 : i32 to vector<16xi32>
        %mul3A_653 = arith.muli %get3A_650, %mul3A_652 : vector<16xi32>
        %swap3A_654 = arith.constant 704 : index
        %swap3A_655 = tpu.vector_load %arg8[%swap3A_654] {strides = array<i32>} : memref<1024xi32, #tpu.memory_space<vmem>>, vector<16xi32>,
        tpu.vector_store %arg8[%swap3A_654], %mul3A_653 {strides = array<i32>} : memref<1024xi32, #tpu.memory_space<vmem>>, vector<16xi32>,
        %get3A_656 = arith.index_cast %sub3A_297 : i32 to index
        %get3A_657 = arith.constant 720 : index
        %get3A_658 = tpu.vector_load %arg7[%get3A_656, %get3A_657] {strides = array<i32>} : memref<8x1024xi32, #tpu.memory_space<vmem>>, vector<16xi32>,
        %mul3A_659 = arith.constant 65 : i32
        %mul3A_660 = vector.broadcast %mul3A_659 : i32 to vector<16xi32>
        %mul3A_661 = arith.muli %get3A_658, %mul3A_660 : vector<16xi32>
        %swap3A_662 = arith.constant 720 : index
        %swap3A_663 = tpu.vector_load %arg8[%swap3A_662] {strides = array<i32>} : memref<1024xi32, #tpu.memory_space<vmem>>, vector<16xi32>,
        tpu.vector_store %arg8[%swap3A_662], %mul3A_661 {strides = array<i32>} : memref<1024xi32, #tpu.memory_space<vmem>>, vector<16xi32>,
        %get3A_664 = arith.index_cast %sub3A_297 : i32 to index
        %get3A_665 = arith.constant 736 : index
        %get3A_666 = tpu.vector_load %arg7[%get3A_664, %get3A_665] {strides = array<i32>} : memref<8x1024xi32, #tpu.memory_space<vmem>>, vector<16xi32>,
        %mul3A_667 = arith.constant 65 : i32
        %mul3A_668 = vector.broadcast %mul3A_667 : i32 to vector<16xi32>
        %mul3A_669 = arith.muli %get3A_666, %mul3A_668 : vector<16xi32>
        %swap3A_670 = arith.constant 736 : index
        %swap3A_671 = tpu.vector_load %arg8[%swap3A_670] {strides = array<i32>} : memref<1024xi32, #tpu.memory_space<vmem>>, vector<16xi32>,
        tpu.vector_store %arg8[%swap3A_670], %mul3A_669 {strides = array<i32>} : memref<1024xi32, #tpu.memory_space<vmem>>, vector<16xi32>,
        %get3A_672 = arith.index_cast %sub3A_297 : i32 to index
        %get3A_673 = arith.constant 752 : index
        %get3A_674 = tpu.vector_load %arg7[%get3A_672, %get3A_673] {strides = array<i32>} : memref<8x1024xi32, #tpu.memory_space<vmem>>, vector<16xi32>,
        %mul3A_675 = arith.constant 65 : i32
        %mul3A_676 = vector.broadcast %mul3A_675 : i32 to vector<16xi32>
        %mul3A_677 = arith.muli %get3A_674, %mul3A_676 : vector<16xi32>
        %swap3A_678 = arith.constant 752 : index
        %swap3A_679 = tpu.vector_load %arg8[%swap3A_678] {strides = array<i32>} : memref<1024xi32, #tpu.memory_space<vmem>>, vector<16xi32>,
        tpu.vector_store %arg8[%swap3A_678], %mul3A_677 {strides = array<i32>} : memref<1024xi32, #tpu.memory_space<vmem>>, vector<16xi32>,
        %get3A_680 = arith.index_cast %sub3A_297 : i32 to index
        %get3A_681 = arith.constant 768 : index
        %get3A_682 = tpu.vector_load %arg7[%get3A_680, %get3A_681] {strides = array<i32>} : memref<8x1024xi32, #tpu.memory_space<vmem>>, vector<16xi32>,
        %mul3A_683 = arith.constant 65 : i32
        %mul3A_684 = vector.broadcast %mul3A_683 : i32 to vector<16xi32>
        %mul3A_685 = arith.muli %get3A_682, %mul3A_684 : vector<16xi32>
        %swap3A_686 = arith.constant 768 : index
        %swap3A_687 = tpu.vector_load %arg8[%swap3A_686] {strides = array<i32>} : memref<1024xi32, #tpu.memory_space<vmem>>, vector<16xi32>,
        tpu.vector_store %arg8[%swap3A_686], %mul3A_685 {strides = array<i32>} : memref<1024xi32, #tpu.memory_space<vmem>>, vector<16xi32>,
        %get3A_688 = arith.index_cast %sub3A_297 : i32 to index
        %get3A_689 = arith.constant 784 : index
        %get3A_690 = tpu.vector_load %arg7[%get3A_688, %get3A_689] {strides = array<i32>} : memref<8x1024xi32, #tpu.memory_space<vmem>>, vector<16xi32>,
        %mul3A_691 = arith.constant 65 : i32
        %mul3A_692 = vector.broadcast %mul3A_691 : i32 to vector<16xi32>
        %mul3A_693 = arith.muli %get3A_690, %mul3A_692 : vector<16xi32>
        %swap3A_694 = arith.constant 784 : index
        %swap3A_695 = tpu.vector_load %arg8[%swap3A_694] {strides = array<i32>} : memref<1024xi32, #tpu.memory_space<vmem>>, vector<16xi32>,
        tpu.vector_store %arg8[%swap3A_694], %mul3A_693 {strides = array<i32>} : memref<1024xi32, #tpu.memory_space<vmem>>, vector<16xi32>,
        %get3A_696 = arith.index_cast %sub3A_297 : i32 to index
        %get3A_697 = arith.constant 800 : index
        %get3A_698 = tpu.vector_load %arg7[%get3A_696, %get3A_697] {strides = array<i32>} : memref<8x1024xi32, #tpu.memory_space<vmem>>, vector<16xi32>,
        %mul3A_699 = arith.constant 65 : i32
        %mul3A_700 = vector.broadcast %mul3A_699 : i32 to vector<16xi32>
        %mul3A_701 = arith.muli %get3A_698, %mul3A_700 : vector<16xi32>
        %swap3A_702 = arith.constant 800 : index
        %swap3A_703 = tpu.vector_load %arg8[%swap3A_702] {strides = array<i32>} : memref<1024xi32, #tpu.memory_space<vmem>>, vector<16xi32>,
        tpu.vector_store %arg8[%swap3A_702], %mul3A_701 {strides = array<i32>} : memref<1024xi32, #tpu.memory_space<vmem>>, vector<16xi32>,
        %get3A_704 = arith.index_cast %sub3A_297 : i32 to index
        %get3A_705 = arith.constant 816 : index
        %get3A_706 = tpu.vector_load %arg7[%get3A_704, %get3A_705] {strides = array<i32>} : memref<8x1024xi32, #tpu.memory_space<vmem>>, vector<16xi32>,
        %mul3A_707 = arith.constant 65 : i32
        %mul3A_708 = vector.broadcast %mul3A_707 : i32 to vector<16xi32>
        %mul3A_709 = arith.muli %get3A_706, %mul3A_708 : vector<16xi32>
        %swap3A_710 = arith.constant 816 : index
        %swap3A_711 = tpu.vector_load %arg8[%swap3A_710] {strides = array<i32>} : memref<1024xi32, #tpu.memory_space<vmem>>, vector<16xi32>,
        tpu.vector_store %arg8[%swap3A_710], %mul3A_709 {strides = array<i32>} : memref<1024xi32, #tpu.memory_space<vmem>>, vector<16xi32>,
        %get3A_712 = arith.index_cast %sub3A_297 : i32 to index
        %get3A_713 = arith.constant 832 : index
        %get3A_714 = tpu.vector_load %arg7[%get3A_712, %get3A_713] {strides = array<i32>} : memref<8x1024xi32, #tpu.memory_space<vmem>>, vector<16xi32>,
        %mul3A_715 = arith.constant 65 : i32
        %mul3A_716 = vector.broadcast %mul3A_715 : i32 to vector<16xi32>
        %mul3A_717 = arith.muli %get3A_714, %mul3A_716 : vector<16xi32>
        %swap3A_718 = arith.constant 832 : index
        %swap3A_719 = tpu.vector_load %arg8[%swap3A_718] {strides = array<i32>} : memref<1024xi32, #tpu.memory_space<vmem>>, vector<16xi32>,
        tpu.vector_store %arg8[%swap3A_718], %mul3A_717 {strides = array<i32>} : memref<1024xi32, #tpu.memory_space<vmem>>, vector<16xi32>,
        %get3A_720 = arith.index_cast %sub3A_297 : i32 to index
        %get3A_721 = arith.constant 848 : index
        %get3A_722 = tpu.vector_load %arg7[%get3A_720, %get3A_721] {strides = array<i32>} : memref<8x1024xi32, #tpu.memory_space<vmem>>, vector<16xi32>,
        %mul3A_723 = arith.constant 65 : i32
        %mul3A_724 = vector.broadcast %mul3A_723 : i32 to vector<16xi32>
        %mul3A_725 = arith.muli %get3A_722, %mul3A_724 : vector<16xi32>
        %swap3A_726 = arith.constant 848 : index
        %swap3A_727 = tpu.vector_load %arg8[%swap3A_726] {strides = array<i32>} : memref<1024xi32, #tpu.memory_space<vmem>>, vector<16xi32>,
        tpu.vector_store %arg8[%swap3A_726], %mul3A_725 {strides = array<i32>} : memref<1024xi32, #tpu.memory_space<vmem>>, vector<16xi32>,
        %get3A_728 = arith.index_cast %sub3A_297 : i32 to index
        %get3A_729 = arith.constant 864 : index
        %get3A_730 = tpu.vector_load %arg7[%get3A_728, %get3A_729] {strides = array<i32>} : memref<8x1024xi32, #tpu.memory_space<vmem>>, vector<16xi32>,
        %mul3A_731 = arith.constant 65 : i32
        %mul3A_732 = vector.broadcast %mul3A_731 : i32 to vector<16xi32>
        %mul3A_733 = arith.muli %get3A_730, %mul3A_732 : vector<16xi32>
        %swap3A_734 = arith.constant 864 : index
        %swap3A_735 = tpu.vector_load %arg8[%swap3A_734] {strides = array<i32>} : memref<1024xi32, #tpu.memory_space<vmem>>, vector<16xi32>,
        tpu.vector_store %arg8[%swap3A_734], %mul3A_733 {strides = array<i32>} : memref<1024xi32, #tpu.memory_space<vmem>>, vector<16xi32>,
        %get3A_736 = arith.index_cast %sub3A_297 : i32 to index
        %get3A_737 = arith.constant 880 : index
        %get3A_738 = tpu.vector_load %arg7[%get3A_736, %get3A_737] {strides = array<i32>} : memref<8x1024xi32, #tpu.memory_space<vmem>>, vector<16xi32>,
        %mul3A_739 = arith.constant 65 : i32
        %mul3A_740 = vector.broadcast %mul3A_739 : i32 to vector<16xi32>
        %mul3A_741 = arith.muli %get3A_738, %mul3A_740 : vector<16xi32>
        %swap3A_742 = arith.constant 880 : index
        %swap3A_743 = tpu.vector_load %arg8[%swap3A_742] {strides = array<i32>} : memref<1024xi32, #tpu.memory_space<vmem>>, vector<16xi32>,
        tpu.vector_store %arg8[%swap3A_742], %mul3A_741 {strides = array<i32>} : memref<1024xi32, #tpu.memory_space<vmem>>, vector<16xi32>,
        %get3A_744 = arith.index_cast %sub3A_297 : i32 to index
        %get3A_745 = arith.constant 896 : index
        %get3A_746 = tpu.vector_load %arg7[%get3A_744, %get3A_745] {strides = array<i32>} : memref<8x1024xi32, #tpu.memory_space<vmem>>, vector<16xi32>,
        %mul3A_747 = arith.constant 65 : i32
        %mul3A_748 = vector.broadcast %mul3A_747 : i32 to vector<16xi32>
        %mul3A_749 = arith.muli %get3A_746, %mul3A_748 : vector<16xi32>
        %swap3A_750 = arith.constant 896 : index
        %swap3A_751 = tpu.vector_load %arg8[%swap3A_750] {strides = array<i32>} : memref<1024xi32, #tpu.memory_space<vmem>>, vector<16xi32>,
        tpu.vector_store %arg8[%swap3A_750], %mul3A_749 {strides = array<i32>} : memref<1024xi32, #tpu.memory_space<vmem>>, vector<16xi32>,
        %get3A_752 = arith.index_cast %sub3A_297 : i32 to index
        %get3A_753 = arith.constant 912 : index
        %get3A_754 = tpu.vector_load %arg7[%get3A_752, %get3A_753] {strides = array<i32>} : memref<8x1024xi32, #tpu.memory_space<vmem>>, vector<16xi32>,
        %mul3A_755 = arith.constant 65 : i32
        %mul3A_756 = vector.broadcast %mul3A_755 : i32 to vector<16xi32>
        %mul3A_757 = arith.muli %get3A_754, %mul3A_756 : vector<16xi32>
        %swap3A_758 = arith.constant 912 : index
        %swap3A_759 = tpu.vector_load %arg8[%swap3A_758] {strides = array<i32>} : memref<1024xi32, #tpu.memory_space<vmem>>, vector<16xi32>,
        tpu.vector_store %arg8[%swap3A_758], %mul3A_757 {strides = array<i32>} : memref<1024xi32, #tpu.memory_space<vmem>>, vector<16xi32>,
        %get3A_760 = arith.index_cast %sub3A_297 : i32 to index
        %get3A_761 = arith.constant 928 : index
        %get3A_762 = tpu.vector_load %arg7[%get3A_760, %get3A_761] {strides = array<i32>} : memref<8x1024xi32, #tpu.memory_space<vmem>>, vector<16xi32>,
        %mul3A_763 = arith.constant 65 : i32
        %mul3A_764 = vector.broadcast %mul3A_763 : i32 to vector<16xi32>
        %mul3A_765 = arith.muli %get3A_762, %mul3A_764 : vector<16xi32>
        %swap3A_766 = arith.constant 928 : index
        %swap3A_767 = tpu.vector_load %arg8[%swap3A_766] {strides = array<i32>} : memref<1024xi32, #tpu.memory_space<vmem>>, vector<16xi32>,
        tpu.vector_store %arg8[%swap3A_766], %mul3A_765 {strides = array<i32>} : memref<1024xi32, #tpu.memory_space<vmem>>, vector<16xi32>,
        %get3A_768 = arith.index_cast %sub3A_297 : i32 to index
        %get3A_769 = arith.constant 944 : index
        %get3A_770 = tpu.vector_load %arg7[%get3A_768, %get3A_769] {strides = array<i32>} : memref<8x1024xi32, #tpu.memory_space<vmem>>, vector<16xi32>,
        %mul3A_771 = arith.constant 65 : i32
        %mul3A_772 = vector.broadcast %mul3A_771 : i32 to vector<16xi32>
        %mul3A_773 = arith.muli %get3A_770, %mul3A_772 : vector<16xi32>
        %swap3A_774 = arith.constant 944 : index
        %swap3A_775 = tpu.vector_load %arg8[%swap3A_774] {strides = array<i32>} : memref<1024xi32, #tpu.memory_space<vmem>>, vector<16xi32>,
        tpu.vector_store %arg8[%swap3A_774], %mul3A_773 {strides = array<i32>} : memref<1024xi32, #tpu.memory_space<vmem>>, vector<16xi32>,
        %get3A_776 = arith.index_cast %sub3A_297 : i32 to index
        %get3A_777 = arith.constant 960 : index
        %get3A_778 = tpu.vector_load %arg7[%get3A_776, %get3A_777] {strides = array<i32>} : memref<8x1024xi32, #tpu.memory_space<vmem>>, vector<16xi32>,
        %mul3A_779 = arith.constant 65 : i32
        %mul3A_780 = vector.broadcast %mul3A_779 : i32 to vector<16xi32>
        %mul3A_781 = arith.muli %get3A_778, %mul3A_780 : vector<16xi32>
        %swap3A_782 = arith.constant 960 : index
        %swap3A_783 = tpu.vector_load %arg8[%swap3A_782] {strides = array<i32>} : memref<1024xi32, #tpu.memory_space<vmem>>, vector<16xi32>,
        tpu.vector_store %arg8[%swap3A_782], %mul3A_781 {strides = array<i32>} : memref<1024xi32, #tpu.memory_space<vmem>>, vector<16xi32>,
        %get3A_784 = arith.index_cast %sub3A_297 : i32 to index
        %get3A_785 = arith.constant 976 : index
        %get3A_786 = tpu.vector_load %arg7[%get3A_784, %get3A_785] {strides = array<i32>} : memref<8x1024xi32, #tpu.memory_space<vmem>>, vector<16xi32>,
        %mul3A_787 = arith.constant 65 : i32
        %mul3A_788 = vector.broadcast %mul3A_787 : i32 to vector<16xi32>
        %mul3A_789 = arith.muli %get3A_786, %mul3A_788 : vector<16xi32>
        %swap3A_790 = arith.constant 976 : index
        %swap3A_791 = tpu.vector_load %arg8[%swap3A_790] {strides = array<i32>} : memref<1024xi32, #tpu.memory_space<vmem>>, vector<16xi32>,
        tpu.vector_store %arg8[%swap3A_790], %mul3A_789 {strides = array<i32>} : memref<1024xi32, #tpu.memory_space<vmem>>, vector<16xi32>,
        %get3A_792 = arith.index_cast %sub3A_297 : i32 to index
        %get3A_793 = arith.constant 992 : index
        %get3A_794 = tpu.vector_load %arg7[%get3A_792, %get3A_793] {strides = array<i32>} : memref<8x1024xi32, #tpu.memory_space<vmem>>, vector<16xi32>,
        %mul3A_795 = arith.constant 65 : i32
        %mul3A_796 = vector.broadcast %mul3A_795 : i32 to vector<16xi32>
        %mul3A_797 = arith.muli %get3A_794, %mul3A_796 : vector<16xi32>
        %swap3A_798 = arith.constant 992 : index
        %swap3A_799 = tpu.vector_load %arg8[%swap3A_798] {strides = array<i32>} : memref<1024xi32, #tpu.memory_space<vmem>>, vector<16xi32>,
        tpu.vector_store %arg8[%swap3A_798], %mul3A_797 {strides = array<i32>} : memref<1024xi32, #tpu.memory_space<vmem>>, vector<16xi32>,
        %get3A_800 = arith.index_cast %sub3A_297 : i32 to index
        %get3A_801 = arith.constant 1008 : index
        %get3A_802 = tpu.vector_load %arg7[%get3A_800, %get3A_801] {strides = array<i32>} : memref<8x1024xi32, #tpu.memory_space<vmem>>, vector<16xi32>,
        %mul3A_803 = arith.constant 65 : i32
        %mul3A_804 = vector.broadcast %mul3A_803 : i32 to vector<16xi32>
        %mul3A_805 = arith.muli %get3A_802, %mul3A_804 : vector<16xi32>
        %swap3A_806 = arith.constant 1008 : index
        %swap3A_807 = tpu.vector_load %arg8[%swap3A_806] {strides = array<i32>} : memref<1024xi32, #tpu.memory_space<vmem>>, vector<16xi32>,
        tpu.vector_store %arg8[%swap3A_806], %mul3A_805 {strides = array<i32>} : memref<1024xi32, #tpu.memory_space<vmem>>, vector<16xi32>,
      } else {
      }
      %jit3A_155 = arith.constant 8 : i32
      %div3A_156 = arith.divsi %scan3A_86, %jit3A_155 : i32
      %sign3A_157 = arith.constant 0 : i32
      %sign3A_158 = arith.cmpi sgt, %scan3A_86, %sign3A_157 : i32
      %sign3A_159 = arith.extui %sign3A_158 : i1 to i32
      %sign3A_160 = arith.constant 0 : i32
      %sign3A_161 = arith.cmpi slt, %scan3A_86, %sign3A_160 : i32
      %sign3A_162 = arith.extui %sign3A_161 : i1 to i32
      %sign3A_163 = arith.subi %sign3A_159, %sign3A_162 : i32
      %sign3A_164 = arith.constant 0 : i32
      %sign3A_165 = arith.cmpi sgt, %jit3A_155, %sign3A_164 : i32
      %sign3A_166 = arith.extui %sign3A_165 : i1 to i32
      %sign3A_167 = arith.constant 0 : i32
      %sign3A_168 = arith.cmpi slt, %jit3A_155, %sign3A_167 : i32
      %sign3A_169 = arith.extui %sign3A_168 : i1 to i32
      %sign3A_170 = arith.subi %sign3A_166, %sign3A_169 : i32
      %ne3A_171 = arith.cmpi ne, %sign3A_163, %sign3A_170 : i32
      %rem3A_172 = arith.remsi %scan3A_86, %jit3A_155 : i32
      %ne3A_173 = arith.constant 0 : i32
      %ne3A_174 = arith.cmpi ne, %rem3A_172, %ne3A_173 : i32
      %and3A_175 = arith.andi %ne3A_171, %ne3A_174 : i1
      %sub3A_176 = arith.constant 1 : i32
      %sub3A_177 = arith.subi %div3A_156, %sub3A_176 : i32
      %select_n3A_178 = arith.select %and3A_175, %sub3A_177, %div3A_156 : i32
      %add3A_179 = arith.addi %mul3A_34, %select_n3A_178 : i32
      %rem3A_180 = arith.constant 8 : i32
      %rem3A_181 = arith.remsi %scan3A_86, %rem3A_180 : i32
      %mul3A_182 = arith.constant 8 : i32
      %mul3A_183 = arith.muli %rem3A_181, %mul3A_182 : i32
      %multiple_of3A_184 = tpu.assume_multiple %mul3A_183, 8 : i32
      %dma_wait3A = arith.constant 0 : i32
      %dma_wait3A_185 = arith.constant 0 : i32
      %dma_wait3A_186 = tpu.memref_slice %arg9[%rem3A_88, %dma_wait3A, %dma_wait3A_185] : memref<4x8x1024xf32, #tpu.memory_space<vmem>> -> memref<1x8x1024xf32, #tpu.memory_space<vmem>>
      %dma_wait3A_187 = tpu.memref_squeeze %dma_wait3A_186 : memref<1x8x1024xf32, #tpu.memory_space<vmem>> -> memref<8x1024xf32, #tpu.memory_space<vmem>>
      %dma_wait3A_188 = tpu.memref_slice %arg2[%add3A_179, %multiple_of3A_184, %multiple_of3A] : memref<200x64x4096xf32, #tpu.memory_space<hbm>> -> memref<1x8x1024xf32, #tpu.memory_space<hbm>>
      %dma_wait3A_189 = tpu.memref_squeeze %dma_wait3A_188 : memref<1x8x1024xf32, #tpu.memory_space<hbm>> -> memref<8x1024xf32, #tpu.memory_space<hbm>>
      %dma_wait3A_190 = tpu.memref_slice %arg10[%rem3A_88] : memref<4x!tpu.dma_semaphore, #tpu.memory_space<semaphore_mem>> -> memref<1x!tpu.dma_semaphore, #tpu.memory_space<semaphore_mem>>
      %dma_wait3A_191 = tpu.memref_squeeze %dma_wait3A_190 : memref<1x!tpu.dma_semaphore, #tpu.memory_space<semaphore_mem>> -> memref<!tpu.dma_semaphore, #tpu.memory_space<semaphore_mem>>
      %dma_wait3A_192 = arith.constant 0 : i32
      %dma_wait3A_193 = arith.constant 0 : i32
      %dma_wait3A_194 = tpu.memref_slice %arg9[%rem3A_88, %dma_wait3A_192, %dma_wait3A_193] : memref<4x8x1024xf32, #tpu.memory_space<vmem>> -> memref<1x8x1024xf32, #tpu.memory_space<vmem>>
      %dma_wait3A_195 = tpu.memref_squeeze %dma_wait3A_194 : memref<1x8x1024xf32, #tpu.memory_space<vmem>> -> memref<8x1024xf32, #tpu.memory_space<vmem>>
      %dma_wait3A_196 = tpu.memref_slice %arg2[%add3A_179, %multiple_of3A_184, %multiple_of3A] : memref<200x64x4096xf32, #tpu.memory_space<hbm>> -> memref<1x8x1024xf32, #tpu.memory_space<hbm>>
      %dma_wait3A_197 = tpu.memref_squeeze %dma_wait3A_196 : memref<1x8x1024xf32, #tpu.memory_space<hbm>> -> memref<8x1024xf32, #tpu.memory_space<hbm>>
      tpu.wait_dma2 semaphore(%dma_wait3A_191 : memref<!tpu.dma_semaphore, #tpu.memory_space<semaphore_mem>>) src(%dma_wait3A_197 : memref<8x1024xf32, #tpu.memory_space<hbm>>) dst(%dma_wait3A_195 : memref<8x1024xf32, #tpu.memory_space<vmem>>)
      %mul3A_198 = arith.constant 8 : i32
      %mul3A_199 = arith.muli %rem3A_115, %mul3A_198 : i32
      %parallel_loop3A = arith.constant 0 : i32
      %parallel_loop3A_200 = arith.constant 64 : i32
      %parallel_loop3A_201 = arith.constant 1 : i32
      scf.for %parallel_loop3A_297 = %parallel_loop3A to %parallel_loop3A_200 step %parallel_loop3A_201  : i32 {
        %parallel_loop3A_298 = arith.constant 16 : i32
        %parallel_loop3A_299 = arith.muli %parallel_loop3A_297, %parallel_loop3A_298 : i32
        %parallel_loop3A_300 = arith.index_cast %parallel_loop3A_299 : i32 to index
        %parallel_loop3A_301 = tpu.vector_load %arg8[%parallel_loop3A_300] {strides = array<i32>} : memref<1024xi32, #tpu.memory_space<vmem>>, vector<16xi32>,
        %parallel_loop3A_302 = arith.constant 0 : i32
        %parallel_loop3A_303 = arith.addi %mul3A_199, %parallel_loop3A_302 : i32
        %parallel_loop3A_304 = vector.broadcast %parallel_loop3A_303 : i32 to vector<16xi32>
        %parallel_loop3A_305 = arith.addi %parallel_loop3A_301, %parallel_loop3A_304 : vector<16xi32>
        %parallel_loop3A_306 = tpu.vector_load_idx %arg6[%parallel_loop3A_305] : memref<2080xf32, #tpu.memory_space<vmem>>[vector<16xi32>], vector<16xf32>,
        %parallel_loop3A_307 = arith.constant 1 : i32
        %parallel_loop3A_308 = arith.addi %mul3A_199, %parallel_loop3A_307 : i32
        %parallel_loop3A_309 = vector.broadcast %parallel_loop3A_308 : i32 to vector<16xi32>
        %parallel_loop3A_310 = arith.addi %parallel_loop3A_301, %parallel_loop3A_309 : vector<16xi32>
        %parallel_loop3A_311 = tpu.vector_load_idx %arg6[%parallel_loop3A_310] : memref<2080xf32, #tpu.memory_space<vmem>>[vector<16xi32>], vector<16xf32>,
        %parallel_loop3A_312 = arith.constant 2 : i32
        %parallel_loop3A_313 = arith.addi %mul3A_199, %parallel_loop3A_312 : i32
        %parallel_loop3A_314 = vector.broadcast %parallel_loop3A_313 : i32 to vector<16xi32>
        %parallel_loop3A_315 = arith.addi %parallel_loop3A_301, %parallel_loop3A_314 : vector<16xi32>
        %parallel_loop3A_316 = tpu.vector_load_idx %arg6[%parallel_loop3A_315] : memref<2080xf32, #tpu.memory_space<vmem>>[vector<16xi32>], vector<16xf32>,
        %parallel_loop3A_317 = arith.constant 3 : i32
        %parallel_loop3A_318 = arith.addi %mul3A_199, %parallel_loop3A_317 : i32
        %parallel_loop3A_319 = vector.broadcast %parallel_loop3A_318 : i32 to vector<16xi32>
        %parallel_loop3A_320 = arith.addi %parallel_loop3A_301, %parallel_loop3A_319 : vector<16xi32>
        %parallel_loop3A_321 = tpu.vector_load_idx %arg6[%parallel_loop3A_320] : memref<2080xf32, #tpu.memory_space<vmem>>[vector<16xi32>], vector<16xf32>,
        %parallel_loop3A_322 = arith.constant 4 : i32
        %parallel_loop3A_323 = arith.addi %mul3A_199, %parallel_loop3A_322 : i32
        %parallel_loop3A_324 = vector.broadcast %parallel_loop3A_323 : i32 to vector<16xi32>
        %parallel_loop3A_325 = arith.addi %parallel_loop3A_301, %parallel_loop3A_324 : vector<16xi32>
        %parallel_loop3A_326 = tpu.vector_load_idx %arg6[%parallel_loop3A_325] : memref<2080xf32, #tpu.memory_space<vmem>>[vector<16xi32>], vector<16xf32>,
        %parallel_loop3A_327 = arith.constant 5 : i32
        %parallel_loop3A_328 = arith.addi %mul3A_199, %parallel_loop3A_327 : i32
        %parallel_loop3A_329 = vector.broadcast %parallel_loop3A_328 : i32 to vector<16xi32>
        %parallel_loop3A_330 = arith.addi %parallel_loop3A_301, %parallel_loop3A_329 : vector<16xi32>
        %parallel_loop3A_331 = tpu.vector_load_idx %arg6[%parallel_loop3A_330] : memref<2080xf32, #tpu.memory_space<vmem>>[vector<16xi32>], vector<16xf32>,
        %parallel_loop3A_332 = arith.constant 6 : i32
        %parallel_loop3A_333 = arith.addi %mul3A_199, %parallel_loop3A_332 : i32
        %parallel_loop3A_334 = vector.broadcast %parallel_loop3A_333 : i32 to vector<16xi32>
        %parallel_loop3A_335 = arith.addi %parallel_loop3A_301, %parallel_loop3A_334 : vector<16xi32>
        %parallel_loop3A_336 = tpu.vector_load_idx %arg6[%parallel_loop3A_335] : memref<2080xf32, #tpu.memory_space<vmem>>[vector<16xi32>], vector<16xf32>,
        %parallel_loop3A_337 = arith.constant 7 : i32
        %parallel_loop3A_338 = arith.addi %mul3A_199, %parallel_loop3A_337 : i32
        %parallel_loop3A_339 = vector.broadcast %parallel_loop3A_338 : i32 to vector<16xi32>
        %parallel_loop3A_340 = arith.addi %parallel_loop3A_301, %parallel_loop3A_339 : vector<16xi32>
        %parallel_loop3A_341 = tpu.vector_load_idx %arg6[%parallel_loop3A_340] : memref<2080xf32, #tpu.memory_space<vmem>>[vector<16xi32>], vector<16xf32>,
        %parallel_loop3A_342 = arith.constant 16 : i32
        %parallel_loop3A_343 = arith.muli %parallel_loop3A_297, %parallel_loop3A_342 : i32
        %parallel_loop3A_344 = arith.constant 0 : i32
        %parallel_loop3A_345 = arith.index_cast %rem3A_88 : i32 to index
        %parallel_loop3A_346 = arith.index_cast %parallel_loop3A_344 : i32 to index
        %parallel_loop3A_347 = arith.index_cast %parallel_loop3A_343 : i32 to index
        %parallel_loop3A_348 = tpu.vector_load %arg9[%parallel_loop3A_345, %parallel_loop3A_346, %parallel_loop3A_347] {strides = array<i32>} : memref<4x8x1024xf32, #tpu.memory_space<vmem>>, vector<16xf32>,
        tpu.vector_store %arg9[%parallel_loop3A_345, %parallel_loop3A_346, %parallel_loop3A_347], %parallel_loop3A_306 {add = true, strides = array<i32>} : memref<4x8x1024xf32, #tpu.memory_space<vmem>>, vector<16xf32>,
        %parallel_loop3A_349 = arith.constant 16 : i32
        %parallel_loop3A_350 = arith.muli %parallel_loop3A_297, %parallel_loop3A_349 : i32
        %parallel_loop3A_351 = arith.constant 1 : i32
        %parallel_loop3A_352 = arith.index_cast %rem3A_88 : i32 to index
        %parallel_loop3A_353 = arith.index_cast %parallel_loop3A_351 : i32 to index
        %parallel_loop3A_354 = arith.index_cast %parallel_loop3A_350 : i32 to index
        %parallel_loop3A_355 = tpu.vector_load %arg9[%parallel_loop3A_352, %parallel_loop3A_353, %parallel_loop3A_354] {strides = array<i32>} : memref<4x8x1024xf32, #tpu.memory_space<vmem>>, vector<16xf32>,
        tpu.vector_store %arg9[%parallel_loop3A_352, %parallel_loop3A_353, %parallel_loop3A_354], %parallel_loop3A_311 {add = true, strides = array<i32>} : memref<4x8x1024xf32, #tpu.memory_space<vmem>>, vector<16xf32>,
        %parallel_loop3A_356 = arith.constant 16 : i32
        %parallel_loop3A_357 = arith.muli %parallel_loop3A_297, %parallel_loop3A_356 : i32
        %parallel_loop3A_358 = arith.constant 2 : i32
        %parallel_loop3A_359 = arith.index_cast %rem3A_88 : i32 to index
        %parallel_loop3A_360 = arith.index_cast %parallel_loop3A_358 : i32 to index
        %parallel_loop3A_361 = arith.index_cast %parallel_loop3A_357 : i32 to index
        %parallel_loop3A_362 = tpu.vector_load %arg9[%parallel_loop3A_359, %parallel_loop3A_360, %parallel_loop3A_361] {strides = array<i32>} : memref<4x8x1024xf32, #tpu.memory_space<vmem>>, vector<16xf32>,
        tpu.vector_store %arg9[%parallel_loop3A_359, %parallel_loop3A_360, %parallel_loop3A_361], %parallel_loop3A_316 {add = true, strides = array<i32>} : memref<4x8x1024xf32, #tpu.memory_space<vmem>>, vector<16xf32>,
        %parallel_loop3A_363 = arith.constant 16 : i32
        %parallel_loop3A_364 = arith.muli %parallel_loop3A_297, %parallel_loop3A_363 : i32
        %parallel_loop3A_365 = arith.constant 3 : i32
        %parallel_loop3A_366 = arith.index_cast %rem3A_88 : i32 to index
        %parallel_loop3A_367 = arith.index_cast %parallel_loop3A_365 : i32 to index
        %parallel_loop3A_368 = arith.index_cast %parallel_loop3A_364 : i32 to index
        %parallel_loop3A_369 = tpu.vector_load %arg9[%parallel_loop3A_366, %parallel_loop3A_367, %parallel_loop3A_368] {strides = array<i32>} : memref<4x8x1024xf32, #tpu.memory_space<vmem>>, vector<16xf32>,
        tpu.vector_store %arg9[%parallel_loop3A_366, %parallel_loop3A_367, %parallel_loop3A_368], %parallel_loop3A_321 {add = true, strides = array<i32>} : memref<4x8x1024xf32, #tpu.memory_space<vmem>>, vector<16xf32>,
        %parallel_loop3A_370 = arith.constant 16 : i32
        %parallel_loop3A_371 = arith.muli %parallel_loop3A_297, %parallel_loop3A_370 : i32
        %parallel_loop3A_372 = arith.constant 4 : i32
        %parallel_loop3A_373 = arith.index_cast %rem3A_88 : i32 to index
        %parallel_loop3A_374 = arith.index_cast %parallel_loop3A_372 : i32 to index
        %parallel_loop3A_375 = arith.index_cast %parallel_loop3A_371 : i32 to index
        %parallel_loop3A_376 = tpu.vector_load %arg9[%parallel_loop3A_373, %parallel_loop3A_374, %parallel_loop3A_375] {strides = array<i32>} : memref<4x8x1024xf32, #tpu.memory_space<vmem>>, vector<16xf32>,
        tpu.vector_store %arg9[%parallel_loop3A_373, %parallel_loop3A_374, %parallel_loop3A_375], %parallel_loop3A_326 {add = true, strides = array<i32>} : memref<4x8x1024xf32, #tpu.memory_space<vmem>>, vector<16xf32>,
        %parallel_loop3A_377 = arith.constant 16 : i32
        %parallel_loop3A_378 = arith.muli %parallel_loop3A_297, %parallel_loop3A_377 : i32
        %parallel_loop3A_379 = arith.constant 5 : i32
        %parallel_loop3A_380 = arith.index_cast %rem3A_88 : i32 to index
        %parallel_loop3A_381 = arith.index_cast %parallel_loop3A_379 : i32 to index
        %parallel_loop3A_382 = arith.index_cast %parallel_loop3A_378 : i32 to index
        %parallel_loop3A_383 = tpu.vector_load %arg9[%parallel_loop3A_380, %parallel_loop3A_381, %parallel_loop3A_382] {strides = array<i32>} : memref<4x8x1024xf32, #tpu.memory_space<vmem>>, vector<16xf32>,
        tpu.vector_store %arg9[%parallel_loop3A_380, %parallel_loop3A_381, %parallel_loop3A_382], %parallel_loop3A_331 {add = true, strides = array<i32>} : memref<4x8x1024xf32, #tpu.memory_space<vmem>>, vector<16xf32>,
        %parallel_loop3A_384 = arith.constant 16 : i32
        %parallel_loop3A_385 = arith.muli %parallel_loop3A_297, %parallel_loop3A_384 : i32
        %parallel_loop3A_386 = arith.constant 6 : i32
        %parallel_loop3A_387 = arith.index_cast %rem3A_88 : i32 to index
        %parallel_loop3A_388 = arith.index_cast %parallel_loop3A_386 : i32 to index
        %parallel_loop3A_389 = arith.index_cast %parallel_loop3A_385 : i32 to index
        %parallel_loop3A_390 = tpu.vector_load %arg9[%parallel_loop3A_387, %parallel_loop3A_388, %parallel_loop3A_389] {strides = array<i32>} : memref<4x8x1024xf32, #tpu.memory_space<vmem>>, vector<16xf32>,
        tpu.vector_store %arg9[%parallel_loop3A_387, %parallel_loop3A_388, %parallel_loop3A_389], %parallel_loop3A_336 {add = true, strides = array<i32>} : memref<4x8x1024xf32, #tpu.memory_space<vmem>>, vector<16xf32>,
        %parallel_loop3A_391 = arith.constant 16 : i32
        %parallel_loop3A_392 = arith.muli %parallel_loop3A_297, %parallel_loop3A_391 : i32
        %parallel_loop3A_393 = arith.constant 7 : i32
        %parallel_loop3A_394 = arith.index_cast %rem3A_88 : i32 to index
        %parallel_loop3A_395 = arith.index_cast %parallel_loop3A_393 : i32 to index
        %parallel_loop3A_396 = arith.index_cast %parallel_loop3A_392 : i32 to index
        %parallel_loop3A_397 = tpu.vector_load %arg9[%parallel_loop3A_394, %parallel_loop3A_395, %parallel_loop3A_396] {strides = array<i32>} : memref<4x8x1024xf32, #tpu.memory_space<vmem>>, vector<16xf32>,
        tpu.vector_store %arg9[%parallel_loop3A_394, %parallel_loop3A_395, %parallel_loop3A_396], %parallel_loop3A_341 {add = true, strides = array<i32>} : memref<4x8x1024xf32, #tpu.memory_space<vmem>>, vector<16xf32>,
      } {sc.loop_unroll_factor = 2 : i64, sc.parallel_access}
      %jit3A_202 = arith.constant 8 : i32
      %div3A_203 = arith.divsi %scan3A_86, %jit3A_202 : i32
      %sign3A_204 = arith.constant 0 : i32
      %sign3A_205 = arith.cmpi sgt, %scan3A_86, %sign3A_204 : i32
      %sign3A_206 = arith.extui %sign3A_205 : i1 to i32
      %sign3A_207 = arith.constant 0 : i32
      %sign3A_208 = arith.cmpi slt, %scan3A_86, %sign3A_207 : i32
      %sign3A_209 = arith.extui %sign3A_208 : i1 to i32
      %sign3A_210 = arith.subi %sign3A_206, %sign3A_209 : i32
      %sign3A_211 = arith.constant 0 : i32
      %sign3A_212 = arith.cmpi sgt, %jit3A_202, %sign3A_211 : i32
      %sign3A_213 = arith.extui %sign3A_212 : i1 to i32
      %sign3A_214 = arith.constant 0 : i32
      %sign3A_215 = arith.cmpi slt, %jit3A_202, %sign3A_214 : i32
      %sign3A_216 = arith.extui %sign3A_215 : i1 to i32
      %sign3A_217 = arith.subi %sign3A_213, %sign3A_216 : i32
      %ne3A_218 = arith.cmpi ne, %sign3A_210, %sign3A_217 : i32
      %rem3A_219 = arith.remsi %scan3A_86, %jit3A_202 : i32
      %ne3A_220 = arith.constant 0 : i32
      %ne3A_221 = arith.cmpi ne, %rem3A_219, %ne3A_220 : i32
      %and3A_222 = arith.andi %ne3A_218, %ne3A_221 : i1
      %sub3A_223 = arith.constant 1 : i32
      %sub3A_224 = arith.subi %div3A_203, %sub3A_223 : i32
      %select_n3A_225 = arith.select %and3A_222, %sub3A_224, %div3A_203 : i32
      %add3A_226 = arith.addi %mul3A_34, %select_n3A_225 : i32
      %rem3A_227 = arith.constant 8 : i32
      %rem3A_228 = arith.remsi %scan3A_86, %rem3A_227 : i32
      %mul3A_229 = arith.constant 8 : i32
      %mul3A_230 = arith.muli %rem3A_228, %mul3A_229 : i32
      %multiple_of3A_231 = tpu.assume_multiple %mul3A_230, 8 : i32
      %dma_start3A_232 = arith.constant 0 : i32
      %dma_start3A_233 = arith.constant 0 : i32
      %dma_start3A_234 = tpu.memref_slice %arg9[%rem3A_88, %dma_start3A_232, %dma_start3A_233] : memref<4x8x1024xf32, #tpu.memory_space<vmem>> -> memref<1x8x1024xf32, #tpu.memory_space<vmem>>
      %dma_start3A_235 = tpu.memref_squeeze %dma_start3A_234 : memref<1x8x1024xf32, #tpu.memory_space<vmem>> -> memref<8x1024xf32, #tpu.memory_space<vmem>>
      %dma_start3A_236 = tpu.memref_slice %arg5[%add3A_226, %multiple_of3A_231, %multiple_of3A] : memref<200x64x4096xf32, #tpu.memory_space<hbm>> -> memref<1x8x1024xf32, #tpu.memory_space<hbm>>
      %dma_start3A_237 = tpu.memref_squeeze %dma_start3A_236 : memref<1x8x1024xf32, #tpu.memory_space<hbm>> -> memref<8x1024xf32, #tpu.memory_space<hbm>>
      %dma_start3A_238 = tpu.memref_slice %arg11[%rem3A_88] : memref<4x!tpu.dma_semaphore, #tpu.memory_space<semaphore_mem>> -> memref<1x!tpu.dma_semaphore, #tpu.memory_space<semaphore_mem>>
      %dma_start3A_239 = tpu.memref_squeeze %dma_start3A_238 : memref<1x!tpu.dma_semaphore, #tpu.memory_space<semaphore_mem>> -> memref<!tpu.dma_semaphore, #tpu.memory_space<semaphore_mem>>
      %dma_start3A_240 = tpu.memref_slice %arg5[%add3A_226, %multiple_of3A_231, %multiple_of3A] : memref<200x64x4096xf32, #tpu.memory_space<hbm>> -> memref<1x8x1024xf32, #tpu.memory_space<hbm>>
      %dma_start3A_241 = tpu.memref_squeeze %dma_start3A_240 : memref<1x8x1024xf32, #tpu.memory_space<hbm>> -> memref<8x1024xf32, #tpu.memory_space<hbm>>
      %dma_start3A_242 = arith.constant 0 : i32
      %dma_start3A_243 = arith.constant 0 : i32
      %dma_start3A_244 = tpu.memref_slice %arg9[%rem3A_88, %dma_start3A_242, %dma_start3A_243] : memref<4x8x1024xf32, #tpu.memory_space<vmem>> -> memref<1x8x1024xf32, #tpu.memory_space<vmem>>
      %dma_start3A_245 = tpu.memref_squeeze %dma_start3A_244 : memref<1x8x1024xf32, #tpu.memory_space<vmem>> -> memref<8x1024xf32, #tpu.memory_space<vmem>>
      tpu.enqueue_dma source(%dma_start3A_245 : memref<8x1024xf32, #tpu.memory_space<vmem>>) target(%dma_start3A_241 : memref<8x1024xf32, #tpu.memory_space<hbm>>) target_semaphore(%dma_start3A_239 : memref<!tpu.dma_semaphore, #tpu.memory_space<semaphore_mem>>)
      %jit3A_246 = arith.constant 8 : i32
      %div3A_247 = arith.divsi %scan3A_86, %jit3A_246 : i32
      %sign3A_248 = arith.constant 0 : i32
      %sign3A_249 = arith.cmpi sgt, %scan3A_86, %sign3A_248 : i32
      %sign3A_250 = arith.extui %sign3A_249 : i1 to i32
      %sign3A_251 = arith.constant 0 : i32
      %sign3A_252 = arith.cmpi slt, %scan3A_86, %sign3A_251 : i32
      %sign3A_253 = arith.extui %sign3A_252 : i1 to i32
      %sign3A_254 = arith.subi %sign3A_250, %sign3A_253 : i32
      %sign3A_255 = arith.constant 0 : i32
      %sign3A_256 = arith.cmpi sgt, %jit3A_246, %sign3A_255 : i32
      %sign3A_257 = arith.extui %sign3A_256 : i1 to i32
      %sign3A_258 = arith.constant 0 : i32
      %sign3A_259 = arith.cmpi slt, %jit3A_246, %sign3A_258 : i32
      %sign3A_260 = arith.extui %sign3A_259 : i1 to i32
      %sign3A_261 = arith.subi %sign3A_257, %sign3A_260 : i32
      %ne3A_262 = arith.cmpi ne, %sign3A_254, %sign3A_261 : i32
      %rem3A_263 = arith.remsi %scan3A_86, %jit3A_246 : i32
      %ne3A_264 = arith.constant 0 : i32
      %ne3A_265 = arith.cmpi ne, %rem3A_263, %ne3A_264 : i32
      %and3A_266 = arith.andi %ne3A_262, %ne3A_265 : i1
      %sub3A_267 = arith.constant 1 : i32
      %sub3A_268 = arith.subi %div3A_247, %sub3A_267 : i32
      %select_n3A_269 = arith.select %and3A_266, %sub3A_268, %div3A_247 : i32
      %add3A_270 = arith.addi %mul3A_34, %select_n3A_269 : i32
      %rem3A_271 = arith.constant 8 : i32
      %rem3A_272 = arith.remsi %scan3A_86, %rem3A_271 : i32
      %mul3A_273 = arith.constant 8 : i32
      %mul3A_274 = arith.muli %rem3A_272, %mul3A_273 : i32
      %multiple_of3A_275 = tpu.assume_multiple %mul3A_274, 8 : i32
      %dma_wait3A_276 = arith.constant 0 : i32
      %dma_wait3A_277 = arith.constant 0 : i32
      %dma_wait3A_278 = tpu.memref_slice %arg9[%rem3A_88, %dma_wait3A_276, %dma_wait3A_277] : memref<4x8x1024xf32, #tpu.memory_space<vmem>> -> memref<1x8x1024xf32, #tpu.memory_space<vmem>>
      %dma_wait3A_279 = tpu.memref_squeeze %dma_wait3A_278 : memref<1x8x1024xf32, #tpu.memory_space<vmem>> -> memref<8x1024xf32, #tpu.memory_space<vmem>>
      %dma_wait3A_280 = tpu.memref_slice %arg5[%add3A_270, %multiple_of3A_275, %multiple_of3A] : memref<200x64x4096xf32, #tpu.memory_space<hbm>> -> memref<1x8x1024xf32, #tpu.memory_space<hbm>>
      %dma_wait3A_281 = tpu.memref_squeeze %dma_wait3A_280 : memref<1x8x1024xf32, #tpu.memory_space<hbm>> -> memref<8x1024xf32, #tpu.memory_space<hbm>>
      %dma_wait3A_282 = tpu.memref_slice %arg11[%rem3A_88] : memref<4x!tpu.dma_semaphore, #tpu.memory_space<semaphore_mem>> -> memref<1x!tpu.dma_semaphore, #tpu.memory_space<semaphore_mem>>
      %dma_wait3A_283 = tpu.memref_squeeze %dma_wait3A_282 : memref<1x!tpu.dma_semaphore, #tpu.memory_space<semaphore_mem>> -> memref<!tpu.dma_semaphore, #tpu.memory_space<semaphore_mem>>
      %dma_wait3A_284 = tpu.memref_slice %arg5[%add3A_270, %multiple_of3A_275, %multiple_of3A] : memref<200x64x4096xf32, #tpu.memory_space<hbm>> -> memref<1x8x1024xf32, #tpu.memory_space<hbm>>
      %dma_wait3A_285 = tpu.memref_squeeze %dma_wait3A_284 : memref<1x8x1024xf32, #tpu.memory_space<hbm>> -> memref<8x1024xf32, #tpu.memory_space<hbm>>
      %dma_wait3A_286 = arith.constant 0 : i32
      %dma_wait3A_287 = arith.constant 0 : i32
      %dma_wait3A_288 = tpu.memref_slice %arg9[%rem3A_88, %dma_wait3A_286, %dma_wait3A_287] : memref<4x8x1024xf32, #tpu.memory_space<vmem>> -> memref<1x8x1024xf32, #tpu.memory_space<vmem>>
      %dma_wait3A_289 = tpu.memref_squeeze %dma_wait3A_288 : memref<1x8x1024xf32, #tpu.memory_space<vmem>> -> memref<8x1024xf32, #tpu.memory_space<vmem>>
      tpu.wait_dma2 semaphore(%dma_wait3A_283 : memref<!tpu.dma_semaphore, #tpu.memory_space<semaphore_mem>>) src(%dma_wait3A_289 : memref<8x1024xf32, #tpu.memory_space<vmem>>) dst(%dma_wait3A_285 : memref<8x1024xf32, #tpu.memory_space<hbm>>)
      %add3A_290 = arith.constant 2 : i32
      %add3A_291 = arith.addi %scan3A_86, %add3A_290 : i32
      %lt3A_292 = arith.constant 200 : i32
      %lt3A_293 = arith.cmpi slt, %add3A_291, %lt3A_292 : i32
      %convert_element_type3A_294 = arith.extui %lt3A_293 : i1 to i32
      %cond3A_295 = arith.constant 0 : i32
      %cond3A_296 = arith.cmpi ne, %convert_element_type3A_294, %cond3A_295 : i32
      scf.if %cond3A_296 {
        %rem3A_297 = arith.constant 4 : i32
        %rem3A_298 = arith.remsi %add3A_291, %rem3A_297 : i32
        %jit3A_299 = arith.constant 8 : i32
        %div3A_300 = arith.divsi %add3A_291, %jit3A_299 : i32
        %sign3A_301 = arith.constant 0 : i32
        %sign3A_302 = arith.cmpi sgt, %add3A_291, %sign3A_301 : i32
        %sign3A_303 = arith.extui %sign3A_302 : i1 to i32
        %sign3A_304 = arith.constant 0 : i32
        %sign3A_305 = arith.cmpi slt, %add3A_291, %sign3A_304 : i32
        %sign3A_306 = arith.extui %sign3A_305 : i1 to i32
        %sign3A_307 = arith.subi %sign3A_303, %sign3A_306 : i32
        %sign3A_308 = arith.constant 0 : i32
        %sign3A_309 = arith.cmpi sgt, %jit3A_299, %sign3A_308 : i32
        %sign3A_310 = arith.extui %sign3A_309 : i1 to i32
        %sign3A_311 = arith.constant 0 : i32
        %sign3A_312 = arith.cmpi slt, %jit3A_299, %sign3A_311 : i32
        %sign3A_313 = arith.extui %sign3A_312 : i1 to i32
        %sign3A_314 = arith.subi %sign3A_310, %sign3A_313 : i32
        %ne3A_315 = arith.cmpi ne, %sign3A_307, %sign3A_314 : i32
        %rem3A_316 = arith.remsi %add3A_291, %jit3A_299 : i32
        %ne3A_317 = arith.constant 0 : i32
        %ne3A_318 = arith.cmpi ne, %rem3A_316, %ne3A_317 : i32
        %and3A_319 = arith.andi %ne3A_315, %ne3A_318 : i1
        %sub3A_320 = arith.constant 1 : i32
        %sub3A_321 = arith.subi %div3A_300, %sub3A_320 : i32
        %select_n3A_322 = arith.select %and3A_319, %sub3A_321, %div3A_300 : i32
        %add3A_323 = arith.addi %mul3A_34, %select_n3A_322 : i32
        %rem3A_324 = arith.constant 8 : i32
        %rem3A_325 = arith.remsi %add3A_291, %rem3A_324 : i32
        %mul3A_326 = arith.constant 8 : i32
        %mul3A_327 = arith.muli %rem3A_325, %mul3A_326 : i32
        %multiple_of3A_328 = tpu.assume_multiple %mul3A_327, 8 : i32
        %dma_start3A_329 = arith.constant 0 : i32
        %dma_start3A_330 = arith.constant 0 : i32
        %dma_start3A_331 = tpu.memref_slice %arg9[%rem3A_298, %dma_start3A_329, %dma_start3A_330] : memref<4x8x1024xf32, #tpu.memory_space<vmem>> -> memref<1x8x1024xf32, #tpu.memory_space<vmem>>
        %dma_start3A_332 = tpu.memref_squeeze %dma_start3A_331 : memref<1x8x1024xf32, #tpu.memory_space<vmem>> -> memref<8x1024xf32, #tpu.memory_space<vmem>>
        %dma_start3A_333 = tpu.memref_slice %arg2[%add3A_323, %multiple_of3A_328, %multiple_of3A] : memref<200x64x4096xf32, #tpu.memory_space<hbm>> -> memref<1x8x1024xf32, #tpu.memory_space<hbm>>
        %dma_start3A_334 = tpu.memref_squeeze %dma_start3A_333 : memref<1x8x1024xf32, #tpu.memory_space<hbm>> -> memref<8x1024xf32, #tpu.memory_space<hbm>>
        %dma_start3A_335 = tpu.memref_slice %arg10[%rem3A_298] : memref<4x!tpu.dma_semaphore, #tpu.memory_space<semaphore_mem>> -> memref<1x!tpu.dma_semaphore, #tpu.memory_space<semaphore_mem>>
        %dma_start3A_336 = tpu.memref_squeeze %dma_start3A_335 : memref<1x!tpu.dma_semaphore, #tpu.memory_space<semaphore_mem>> -> memref<!tpu.dma_semaphore, #tpu.memory_space<semaphore_mem>>
        %dma_start3A_337 = arith.constant 0 : i32
        %dma_start3A_338 = arith.constant 0 : i32
        %dma_start3A_339 = tpu.memref_slice %arg9[%rem3A_298, %dma_start3A_337, %dma_start3A_338] : memref<4x8x1024xf32, #tpu.memory_space<vmem>> -> memref<1x8x1024xf32, #tpu.memory_space<vmem>>
        %dma_start3A_340 = tpu.memref_squeeze %dma_start3A_339 : memref<1x8x1024xf32, #tpu.memory_space<vmem>> -> memref<8x1024xf32, #tpu.memory_space<vmem>>
        %dma_start3A_341 = tpu.memref_slice %arg2[%add3A_323, %multiple_of3A_328, %multiple_of3A] : memref<200x64x4096xf32, #tpu.memory_space<hbm>> -> memref<1x8x1024xf32, #tpu.memory_space<hbm>>
        %dma_start3A_342 = tpu.memref_squeeze %dma_start3A_341 : memref<1x8x1024xf32, #tpu.memory_space<hbm>> -> memref<8x1024xf32, #tpu.memory_space<hbm>>
        tpu.enqueue_dma source(%dma_start3A_342 : memref<8x1024xf32, #tpu.memory_space<hbm>>) target(%dma_start3A_340 : memref<8x1024xf32, #tpu.memory_space<vmem>>) target_semaphore(%dma_start3A_336 : memref<!tpu.dma_semaphore, #tpu.memory_space<semaphore_mem>>)
      } else {
      }
    }
    %scan3A_85 = arith.constant 200 : i32
    return
  }
}

</mosaic_0001>

<sc_bundles>
// kernel: kernel.3.cloned.1.call-start
scs
__scs_entry_jumppad:
0x0: {  	(pc) =	sbr.rel $0x88, $3  }
0x1: {  	(tag) =	ssettag $0x0;
	lr =	simm.s32 $0x1  }
0x2: {  	[smem:$0x3F9E] =	sst lr;
	_ =	strace $0xD0000000  }
0x3: {  	_ = 	snop  }
0x4: {  	_ = 	snop  }
0x5: {  	_ = 	snop  }
0x6: {  	_ = 	snop  }
0x7: {  	_ = 	snop  }
__scs_overlays_trampoline_lowered:
0x8: {  	[smem:$0x3FAD] =	sst s0  }
0x9: {  	[smem:$0x3FAE] =	sst s1  }
0xa: {  	[smem:$0x3FAF] =	sst s2  }
0xb: {  	[smem:$0x3FB0] =	sst s3  }
0xc: {  	[smem:$0x3FB1] =	sst s4  }
0xd: {  	[smem:$0x3FB2] =	sst s5  }
0xe: {  	[smem:$0x3FB3] =	sst s6  }
0xf: {  	[smem:$0x3FB4] =	sst s7  }
0x10: {  	[smem:$0x3FB5] =	sst s8  }
0x11: {  	[smem:$0x3FB6] =	sst s9;
	s0 =	simm.s32 @!p0 $0x0  }
0x12: {  	s1 =	sld [smem:$0x3F9C];
	s0 =	simm.s32 @p0 $0x1  }
0x13: {  	[smem:$0x3FB7] =	sst s0;
	s0 =	simm.s32 @!p1 $0x0  }
0x14: {  	s2 =	sld [smem:$0x3F9B];
	s0 =	simm.s32 @p1 $0x1  }
0x15: {  	[smem:$0x3FB8] =	sst s0;
	s0 =	simm.s32 @!p2 $0x0  }
0x16: {  	s3 =	sld [smem:$0x3FDB];
	s0 =	simm.s32 @p2 $0x1  }
0x17: {  	s4 =	simm.s32 $0x1BF5;
	[smem:$0x3FBA] =	sst s0  }
0x18: {  	s0 =	sld [smem:$0x3F9D];
	_ =	swait.ge [sflag:s4], $0x0  }
0x19: {  	s7 =	sld [smem:$0x3F9E]  }
0x1a: {  	s8 =	sadd.s32 $0xFFFFE003, lr  }
0x1b: {  	s9 =	sadd.s32 $0xFFFFFEF7, lr;
	s5 =	simm.s32 $0xFFFFFFFF;
	p2 =	slt.u32 s8, $0xFFFFF086  }
0x1c: {  	p1 =	slt.u32 s9, $0xF7A;
	s5 =	simm.s32 @!p2 $0x0  }
0x1d: {  	s5 =	simm.s32 @p1 $0x1;
	p0 =	seq.s32 s7, s2  }
0x1e: {  	s7 =	smul.u32 @!p0 $0xF7A, s2;
	p2 =	seq.s32 @!p0 s5, $0x0  }
0x1f: {  	s9 =	smul.u32 $0xF7A, s1;
	s8 =	simm.s32 @!p0 $0x1BF5;
	p2 =	por !p2, p0  }
0x20: {  	[sflag:s8] =	ssyncset.s32 @!p0 $0xFFFFF086;
	s6 =	sadd.s32 @!p0 s3, s7;
	s7 =	simm.s32 @!p0 $0x108  }
0x21: {  	s3 =	sadd.s32 s3, s9;
	s6 =	sadd.s32 @!p0 $0x88, s6;
	s7 =	simm.s32 @p2 $0x1082  }
0x22: {  	[simem:s7], [sflag:s8] =	dma.local @!p0 [hbm:s6], $0xF7A  }
0x23: {  	s9 =	sor.u32 $0xD0000000, s2;
	s6 =	simm.s32 $0x108;
	_ =	swait.ge @!p0 [sflag:s8], $0x0  }
0x24: {  	s3 =	sadd.s32 $0x88, s3;
	s6 =	simm.s32 @!p1 $0x1082;
	[sflag:s4] =	ssyncset.s32 $0xFFFFF086  }
0x25: {  	[simem:s6], [sflag:s4] =	dma.local [hbm:s3], $0xF7A  }
0x26: {  	[smem:$0x3F9E] =	sst s1;
	(tag) =	ssettag s2;
	_ =	strace s9  }
0x27: {  	s1 =	sld [smem:$0x3FAE]  }
0x28: {  	s2 =	sld [smem:$0x3FAF]  }
0x29: {  	s4 =	sld [smem:$0x3FB1]  }
0x2a: {  	p0 =	seq.s32 s5, $0x0;
	s5 =	sld [smem:$0x3FB2]  }
0x2b: {  	s6 =	sld [smem:$0x3FB3]  }
0x2c: {  	s7 =	sld [smem:$0x3FB4]  }
0x2d: {  	s3 =	simm.s32 $0x108;
	s8 =	sld [smem:$0x3FB5]  }
0x2e: {  	s3 =	simm.s32 @!p0 $0x1082;
	s9 =	sld [smem:$0x3FB6]  }
0x2f: {  	lr =	sadd.s32 s0, s3;
	s0 =	sld [smem:$0x3FAD]  }
0x30: {  	s3 =	sld [smem:$0x3FB0]  }
0x31: {  	[smem:$0x3FB9] =	sst s10  }
0x32: {  	s10 =	sld [smem:$0x3FB7];
	_ =	sdelay $0x3  }
0x33: {  	p0 =	seq.s32 s10, $0x1;
	s10 =	sld [smem:$0x3FB9];
	_ =	sdelay $0x3  }
0x34: {  	[smem:$0x3FB9] =	sst s10  }
0x35: {  	s10 =	sld [smem:$0x3FB8];
	_ =	sdelay $0x3  }
0x36: {  	p1 =	seq.s32 s10, $0x1;
	s10 =	sld [smem:$0x3FB9];
	_ =	sdelay $0x3  }
0x37: {  	[smem:$0x3FB9] =	sst s10  }
0x38: {  	s10 =	sld [smem:$0x3FBA]  }
0x39: {  	_ = 	snop;
	(pc) =	sbr.ind lr, $3  }
0x3a: {  	_ = 	snop  }
0x3b: {  	_ = 	snop  }
0x3c: {  	p2 =	seq.s32 s10, $0x1;
	s10 =	sld [smem:$0x3FB9]  }
0x3d: {  	_ =	shalt  }
0x3e: {  	_ =	shalt  }
0x3f: {  	_ =	shalt  }
0x40: {  	_ =	shalt  }
0x41: {  	_ =	shalt  }
0x42: {  	_ =	shalt  }
0x43: {  	_ =	shalt  }
0x44: {  	_ =	shalt  }
0x45: {  	_ =	shalt  }
0x46: {  	_ =	shalt  }
0x47: {  	_ =	shalt  }
0x48: {  	_ =	shalt  }
0x49: {  	_ =	shalt  }
0x4a: {  	_ =	shalt  }
0x4b: {  	_ =	shalt  }
0x4c: {  	_ =	shalt  }
0x4d: {  	_ =	shalt  }
0x4e: {  	_ =	shalt  }
0x4f: {  	_ =	shalt  }
0x50: {  	_ =	shalt  }
0x51: {  	_ =	shalt  }
0x52: {  	_ =	shalt  }
0x53: {  	_ =	shalt  }
0x54: {  	_ =	shalt  }
0x55: {  	_ =	shalt  }
0x56: {  	_ =	shalt  }
0x57: {  	_ =	shalt  }
0x58: {  	_ =	shalt  }
0x59: {  	_ =	shalt  }
0x5a: {  	_ =	shalt  }
0x5b: {  	_ =	shalt  }
0x5c: {  	_ =	shalt  }
0x5d: {  	_ =	shalt  }
0x5e: {  	_ =	shalt  }
0x5f: {  	_ =	shalt  }
0x60: {  	_ =	shalt  }
0x61: {  	_ =	shalt  }
0x62: {  	_ =	shalt  }
0x63: {  	_ =	shalt  }
0x64: {  	_ =	shalt  }
0x65: {  	_ =	shalt  }
0x66: {  	_ =	shalt  }
0x67: {  	_ =	shalt  }
0x68: {  	_ =	shalt  }
0x69: {  	_ =	shalt  }
0x6a: {  	_ =	shalt  }
0x6b: {  	_ =	shalt  }
0x6c: {  	_ =	shalt  }
0x6d: {  	_ =	shalt  }
0x6e: {  	_ =	shalt  }
0x6f: {  	_ =	shalt  }
0x70: {  	_ =	shalt  }
0x71: {  	_ =	shalt  }
0x72: {  	_ =	shalt  }
0x73: {  	_ =	shalt  }
0x74: {  	_ =	shalt  }
0x75: {  	_ =	shalt  }
0x76: {  	_ =	shalt  }
0x77: {  	_ =	shalt  }
0x78: {  	_ =	shalt  }
0x79: {  	_ =	shalt  }
0x7a: {  	_ =	shalt  }
0x7b: {  	_ =	shalt  }
0x7c: {  	_ =	shalt  }
0x7d: {  	_ =	shalt  }
0x7e: {  	_ =	shalt  }
0x7f: {  	_ =	shalt  }
0x80: {  	_ =	shalt  }
0x81: {  	_ =	shalt  }
0x82: {  	_ =	shalt  }
0x83: {  	_ =	shalt  }
0x84: {  	_ =	shalt  }
0x85: {  	_ =	shalt  }
0x86: {  	_ =	shalt  }
0x87: {  	_ =	shalt  }
.Lfunc_end0:
.L_simem_size_0:
called_computation_lowered:
.L_overlay_start_0:
0x88: {  	s2 =	sld [smem:$0x3FD9]  }
0x89: {  	s3 =	sld [smem:$0x3FFE];
	_ =	sdelay $0x1  }
0x8a: {  	s1 =	srdreg.scid  }
0x8b: {  	s0 =	sand.u32 $0x1, s1  }
0x8c: {  	s17 =	sshll.u32 s0, $0xA;
	s2 =	sadd.s32 s3, s2  }
0x8d: {  	s2 =	sadd.s32 s2, s17  }
0x8e: {  	[smem:$0x3FC5] =	sst s2  }
0x8f: {  	_ = 	snop  }
0x90: {  	s2 =	sld [smem:$0x3FC9]  }
0x91: {  	s18 =	sld [smem:$0x3FD0];
	(tm) =	ssettm $0x1  }
0x92: {  	s4 =	sld [smem:$0x3FFB];
	_ =	sdelay $0x3  }
0x93: {  	_ =	strace s4  }
0x94: {  	s4 =	sld [smem:$0x3FFC];
	_ =	sdelay $0x3  }
0x95: {  	_ =	strace s4  }
0x96: {  	s4 =	sld [smem:$0x3FFD];
	_ =	sdelay $0x3  }
0x97: {  	_ =	strace s4  }
0x98: {  	_ =	strace $0x8FFFFFFF  }
0x99: {  	s19 =	sld [smem:$0x3FDB];
	_ =	sdelay $0x1  }
0x9a: {  	s5 =	simm.s32 $_scs_section_size  }
0x9b: {  	s6 =	simm.s32 $_size__tile_overlayer_lowered;
	s7 =	simm.s32 $_tile_overlayer_lowered  }
0x9c: {  	s22 =	simm.s32 $0x1BFF;
	s21 =	sshll.u32 s7, $0x1;
	s4 =	sadd.s32 s5, s19  }
0x9d: {  	s8 =	simm.s32 $0x0;
	s20 =	sshll.u32 s6, $0x1;
	s6 =	sadd.s32 s21, s4  }
0x9e: {  	[timem:s8], [sflag:s22] =	dma.local [hbm:s6], s20  }
0x9f: {  	_ =	swait.ge [sflag:s22], s20  }
0xa0: {  	s5 =	ssub.s32 $0x0, s20;
	[sflag:s22] =	ssyncset.done $0x0  }
0xa1: {  	[sflag:s22] =	ssyncadd.s32 s5;
	_ =	sdelay $0x1  }
0xa2: {  	s23 =	simm.s32 $0x1B8B  }
0xa3: {  	_ =	swait.ge [sflag:s23], $0x1  }
0xa4: {  	[sflag:s23] =	ssyncset.done $0x0  }
0xa5: {  	s25 =	simm.s32 $0x1B8E;
	s24 =	sld [smem:$0x3FFE];
	[sflag:s23] =	ssyncadd.s32 $0xFFFFFFFF  }
0xa6: {  	s26 =	simm.s32 $execute0_lowered;
	[smem:$0x3FD2] =	sst s25  }
0xa7: {  	s6 =	sshll.u32 s26, $0x1;
	_ =	strace $0x80000046;
	[dreg:$0x1] =	wrdreg $0xFFFFFFFF  }
0xa8: {  	s28 =	simm.s32 $_size_execute0_lowered;
	s4 =	sadd.s32 s4, s6;
	[dreg:$0x0] =	wrdreg $0x0  }
0xa9: {  	s6 =	sshll.u32 s28, $0x1;
	[dreg:$0x2] =	wrdreg s4  }
0xaa: {  	[dreg:$0x3] =	wrdreg s6  }
0xab: {  	[dreg:$0x4] =	wrdreg $0xC0  }
0xac: {  	_ =	task [dreg:s8], $0x5FFFF  }
0xad: {  	[dreg:$0x1] =	wrdreg $0xFFFFFFFF  }
0xae: {  	[dreg:$0x0] =	wrdreg $0x60  }
0xaf: {  	[dreg:$0x2] =	wrdreg s2  }
0xb0: {  	[dreg:$0x3] =	wrdreg s24  }
0xb1: {  	[dreg:$0x4] =	wrdreg s18  }
0xb2: {  	[dreg:$0x5] =	wrdreg $0x9  }
0xb3: {  	_ =	task.clear_ibuf [dreg:s8], $0x6FFFF;
	_ =	strace $0x90000046  }
0xb4: {  	s29 =	simm.s32 $0x9;
	_ =	strace $0x80000048  }
0xb5: {  	_ =	swait.ge [sflag:s29], $0x1  }
0xb6: {  	[sflag:s29] =	ssyncadd.s32 $0xFFFFFFFF  }
0xb7: {  	_ =	strace $0x90000048  }
0xb8: {  	_ =	sfence  }
0xb9: {  	s30 =	sld [smem:$0x0];
	_ =	sdelay $0x2  }
0xba: {  	s31 =	sshll.u32 s1, $0xD;
	s1 =	sshrl.u32 s1, $0x2  }
0xbb: {  	s3 =	sand.u32 $0x4000, s31;
	s1 =	sadd.s32 s1, s30  }
0xbc: {  	s0 =	sor.u32 s3, s0;
	s1 =	sshll.u32 s1, $0x11  }
0xbd: {  	s0 =	sor.u32 s1, s0  }
0xbe: {  	s0 =	sadd.s32 $0x8F2B, s0  }
0xbf: {  	[sflag:s0] =	ssyncadd.remote.s32 $0x1  }
0xc0: {  	_ =	sfence.sel $0xFFFF  }
0xc1: {  	[dreg:$0x0] =	wrdreg $0xFFFFFFFF;
	(pc) =	sbr.abs _section_cstart, $3  }
0xc2: {  	[dreg:$0x1] =	wrdreg $0xFFFFFFFF  }
0xc3: {  	_ =	task.clear_ibuf [dreg:s8], $0x2FFFF;
	_ =	strace $0x9FFFFFFF  }
0xc4: {  	(tm) =	ssettm $0x7FFFFFFF  }
0xc5: {  	_ =	shalt  }
tec
execute0_lowered:
.L_overlay_start_1:
0x0: {  	(tag) =	ssettag $0x1  }
0x1: {  	s2 =	rddreg [dreg:$0x0]  }
0x2: {  	s7 =	rddreg [dreg:$0x1]  }
0x3: {  	s3 =	rddreg [dreg:$0x2]  }
0x4: {  	s1 =	stileid.u32;
	s0 =	rddreg [dreg:$0x3]  }
0x5: {  	s4 =	srdreg.scid;
	s12 =	simm.s32 $0x9;
	s13 =	simm.s32 $0x2C80  }
0x6: {  	s14 =	simm.s32 $0x4C80;
	s15 =	simm.s32 $0x880;
	s5 =	sshll.u32 s1, $0x1  }
0x7: {  	s8 =	sand.u32 $0x1, s4;
	s9 =	sshrl.u32 s1, $0x1;
	s5 =	sand.u32 $0x2, s5  }
0x8: {  	s4 =	simm.s32 $0x0;
	s6 =	smul.u32 $0x640000, s9;
	s5 =	sor.u32 s8, s5  }
0x9: {  	s16 =	simm.s32 $0x0;
	[smem:$0x7FF] =	sst s4;
	s5 =	sshll.u32 s5, $0xD  }
0xa: {  	s11 =	ssub.s32 $0x2, s8;
	s9 =	smul.u32 $0x19, s9;
	s10 =	sor.u32 s6, s5  }
0xb: {  	_ =	strace $0x80000047;
	s31 =	sshrl.u32 s11, $0x1;
	s30 =	sshrl.u32 s10, $0x3  }
0xc: {  	s11 =	ssub.s32 s11, s31;
	s6 =	sadd.s32 $0x600, s7;
	s8 =	sadd.s32 s2, s30  }
0xd: {  	s7 =	sadd.s32 $0x400, s7;
	s11 =	smax.u32 s11, $0x1;
	s10 =	sadd.s32 $0x1000, s8  }
.LBB2_1:
0xe: {  	[tilespmem:s4], [sflag:$0x9] =	stream.linear.gather [hbm4b:s7+s4], $0x880, $0x38;
	[tilespmem:$0xAC80] =	vst v63  }
0xf: {  	_ =	swait.ge [sflag:s12], $0x880  }
0x10: {  	[sflag:s12] =	ssyncset.done $0x0  }
0x11: {  	[sflag:s12] =	ssyncadd.s32 $0xFFFFF780  }
0x12: {  	[tilespmem:s13], [sflag:$0x1] =	stream.linear.gather [hbm4b:s8+s4], $0x2000, $0x38;
	[tilespmem:$0xAC80] =	vst v63  }
0x13: {  	s17 =	simm.s32 $0x0  }
0x14: {  	[tilespmem:s14], [sflag:$0x2] =	stream.linear.gather [hbm4b:s10+s4], $0x2000, $0x38;
	[tilespmem:$0xAC80] =	vst v63  }
.LBB2_2:
0x15: {  	s18 =	sshrl.u32 s17, $0x3  }
0x16: {  	s18 =	sadd.s32 s9, s18  }
0x17: {  	s19 =	sor.u32 s17, s18  }
0x18: {  	p0 =	seq.s32 s17, $0x0;
	s19 =	sand.u32 $0x7, s19  }
0x19: {  	p1 =	sne.s32 @!p0 s19, $0x0  }
0x1a: {  	p0 =	por p0, !p1  }
0x1b: {  	s19 =	sshll.u32 @p0 s18, $0xC  }
0x1c: {  	s19 =	sand.u32 @p0 $0x1F8000, s19  }
0x1d: {  	s19 =	sor.u32 @p0 s5, s19  }
0x1e: {  	s19 =	sshrl.u32 @p0 s19, $0x3  }
0x1f: {  	s19 =	sadd.s32 @p0 s6, s19  }
0x20: {  	[tilespmem:s15], [sflag:$0x9] =	stream.linear.gather @p0 [hbm4b:s19+s4], $0x2000, $0x38;
	[tilespmem:$0xAC80] =	vst v63  }
0x21: {  	_ =	swait.ge @p0 [sflag:s12], $0x2000  }
0x22: {  	s19 =	sand.u32 $0x7, s17;
	[sflag:s12] =	ssyncset.done @p0 $0x0  }
0x23: {  	[sflag:s12] =	ssyncadd.s32 @p0 $0xFFFFE000;
	p0 =	sne.s32 s19, $0x0  }
.Ltmp0:
0x24: {  	_ = 	snop;
	(pc) =	sbr.rel @p0 .LBB2_4-.Ltmp0, $1  }
0x25: {  	_ =	sdelay $0x3  }
0x26: {  	s20 =	sshll.u32 s18, $0x7  }
0x27: {  	s20 =	sand.u32 $0x380, s20  }
0x28: {  	v0 =	vld [tilespmem:s20+$0x880];
	_ =	sdelay $0x4  }
0x29: {  	v0 =	vmul.u32 $0x41, v0;
	_ =	sdelay $0x1  }
0x2a: {  	[tilespmem:$0x2880] =	vst v0  }
0x2b: {  	v0 =	vld [tilespmem:s20+$0x890];
	_ =	sdelay $0x4  }
0x2c: {  	v0 =	vmul.u32 $0x41, v0;
	_ =	sdelay $0x1  }
0x2d: {  	[tilespmem:$0x2890] =	vst v0  }
0x2e: {  	v0 =	vld [tilespmem:s20+$0x8A0];
	_ =	sdelay $0x4  }
0x2f: {  	v0 =	vmul.u32 $0x41, v0;
	_ =	sdelay $0x1  }
0x30: {  	[tilespmem:$0x28A0] =	vst v0  }
0x31: {  	v0 =	vld [tilespmem:s20+$0x8B0];
	_ =	sdelay $0x4  }
0x32: {  	v0 =	vmul.u32 $0x41, v0;
	_ =	sdelay $0x1  }
0x33: {  	[tilespmem:$0x28B0] =	vst v0  }
0x34: {  	v0 =	vld [tilespmem:s20+$0x8C0];
	_ =	sdelay $0x4  }
0x35: {  	v0 =	vmul.u32 $0x41, v0;
	_ =	sdelay $0x1  }
0x36: {  	[tilespmem:$0x28C0] =	vst v0  }
0x37: {  	v0 =	vld [tilespmem:s20+$0x8D0];
	_ =	sdelay $0x4  }
0x38: {  	v0 =	vmul.u32 $0x41, v0;
	_ =	sdelay $0x1  }
0x39: {  	[tilespmem:$0x28D0] =	vst v0  }
0x3a: {  	v0 =	vld [tilespmem:s20+$0x8E0];
	_ =	sdelay $0x4  }
0x3b: {  	v0 =	vmul.u32 $0x41, v0;
	_ =	sdelay $0x1  }
0x3c: {  	[tilespmem:$0x28E0] =	vst v0  }
0x3d: {  	v0 =	vld [tilespmem:s20+$0x8F0];
	_ =	sdelay $0x4  }
0x3e: {  	v0 =	vmul.u32 $0x41, v0;
	_ =	sdelay $0x1  }
0x3f: {  	[tilespmem:$0x28F0] =	vst v0  }
0x40: {  	v0 =	vld [tilespmem:s20+$0xC80];
	_ =	sdelay $0x4  }
0x41: {  	v0 =	vmul.u32 $0x41, v0;
	_ =	sdelay $0x1  }
0x42: {  	[tilespmem:$0x2900] =	vst v0  }
0x43: {  	v0 =	vld [tilespmem:s20+$0xC90];
	_ =	sdelay $0x4  }
0x44: {  	v0 =	vmul.u32 $0x41, v0;
	_ =	sdelay $0x1  }
0x45: {  	[tilespmem:$0x2910] =	vst v0  }
0x46: {  	v0 =	vld [tilespmem:s20+$0xCA0];
	_ =	sdelay $0x4  }
0x47: {  	v0 =	vmul.u32 $0x41, v0;
	_ =	sdelay $0x1  }
0x48: {  	[tilespmem:$0x2920] =	vst v0  }
0x49: {  	v0 =	vld [tilespmem:s20+$0xCB0];
	_ =	sdelay $0x4  }
0x4a: {  	v0 =	vmul.u32 $0x41, v0;
	_ =	sdelay $0x1  }
0x4b: {  	[tilespmem:$0x2930] =	vst v0  }
0x4c: {  	v0 =	vld [tilespmem:s20+$0xCC0];
	_ =	sdelay $0x4  }
0x4d: {  	v0 =	vmul.u32 $0x41, v0;
	_ =	sdelay $0x1  }
0x4e: {  	[tilespmem:$0x2940] =	vst v0  }
0x4f: {  	v0 =	vld [tilespmem:s20+$0xCD0];
	_ =	sdelay $0x4  }
0x50: {  	v0 =	vmul.u32 $0x41, v0;
	_ =	sdelay $0x1  }
0x51: {  	[tilespmem:$0x2950] =	vst v0  }
0x52: {  	v0 =	vld [tilespmem:s20+$0xCE0];
	_ =	sdelay $0x4  }
0x53: {  	v0 =	vmul.u32 $0x41, v0;
	_ =	sdelay $0x1  }
0x54: {  	[tilespmem:$0x2960] =	vst v0  }
0x55: {  	v0 =	vld [tilespmem:s20+$0xCF0];
	_ =	sdelay $0x4  }
0x56: {  	v0 =	vmul.u32 $0x41, v0;
	_ =	sdelay $0x1  }
0x57: {  	[tilespmem:$0x2970] =	vst v0  }
0x58: {  	v0 =	vld [tilespmem:s20+$0x1080];
	_ =	sdelay $0x4  }
0x59: {  	v0 =	vmul.u32 $0x41, v0;
	_ =	sdelay $0x1  }
0x5a: {  	[tilespmem:$0x2980] =	vst v0  }
0x5b: {  	v0 =	vld [tilespmem:s20+$0x1090];
	_ =	sdelay $0x4  }
0x5c: {  	v0 =	vmul.u32 $0x41, v0;
	_ =	sdelay $0x1  }
0x5d: {  	[tilespmem:$0x2990] =	vst v0  }
0x5e: {  	v0 =	vld [tilespmem:s20+$0x10A0];
	_ =	sdelay $0x4  }
0x5f: {  	v0 =	vmul.u32 $0x41, v0;
	_ =	sdelay $0x1  }
0x60: {  	[tilespmem:$0x29A0] =	vst v0  }
0x61: {  	v0 =	vld [tilespmem:s20+$0x10B0];
	_ =	sdelay $0x4  }
0x62: {  	v0 =	vmul.u32 $0x41, v0;
	_ =	sdelay $0x1  }
0x63: {  	[tilespmem:$0x29B0] =	vst v0  }
0x64: {  	v0 =	vld [tilespmem:s20+$0x10C0];
	_ =	sdelay $0x4  }
0x65: {  	v0 =	vmul.u32 $0x41, v0;
	_ =	sdelay $0x1  }
0x66: {  	[tilespmem:$0x29C0] =	vst v0  }
0x67: {  	v0 =	vld [tilespmem:s20+$0x10D0];
	_ =	sdelay $0x4  }
0x68: {  	v0 =	vmul.u32 $0x41, v0;
	_ =	sdelay $0x1  }
0x69: {  	[tilespmem:$0x29D0] =	vst v0  }
0x6a: {  	v0 =	vld [tilespmem:s20+$0x10E0];
	_ =	sdelay $0x4  }
0x6b: {  	v0 =	vmul.u32 $0x41, v0;
	_ =	sdelay $0x1  }
0x6c: {  	[tilespmem:$0x29E0] =	vst v0  }
0x6d: {  	v0 =	vld [tilespmem:s20+$0x10F0];
	_ =	sdelay $0x4  }
0x6e: {  	v0 =	vmul.u32 $0x41, v0;
	_ =	sdelay $0x1  }
0x6f: {  	[tilespmem:$0x29F0] =	vst v0  }
0x70: {  	v0 =	vld [tilespmem:s20+$0x1480];
	_ =	sdelay $0x4  }
0x71: {  	v0 =	vmul.u32 $0x41, v0;
	_ =	sdelay $0x1  }
0x72: {  	[tilespmem:$0x2A00] =	vst v0  }
0x73: {  	v0 =	vld [tilespmem:s20+$0x1490];
	_ =	sdelay $0x4  }
0x74: {  	v0 =	vmul.u32 $0x41, v0;
	_ =	sdelay $0x1  }
0x75: {  	[tilespmem:$0x2A10] =	vst v0  }
0x76: {  	v0 =	vld [tilespmem:s20+$0x14A0];
	_ =	sdelay $0x4  }
0x77: {  	v0 =	vmul.u32 $0x41, v0;
	_ =	sdelay $0x1  }
0x78: {  	[tilespmem:$0x2A20] =	vst v0  }
0x79: {  	v0 =	vld [tilespmem:s20+$0x14B0];
	_ =	sdelay $0x4  }
0x7a: {  	v0 =	vmul.u32 $0x41, v0;
	_ =	sdelay $0x1  }
0x7b: {  	[tilespmem:$0x2A30] =	vst v0  }
0x7c: {  	v0 =	vld [tilespmem:s20+$0x14C0];
	_ =	sdelay $0x4  }
0x7d: {  	v0 =	vmul.u32 $0x41, v0;
	_ =	sdelay $0x1  }
0x7e: {  	[tilespmem:$0x2A40] =	vst v0  }
0x7f: {  	v0 =	vld [tilespmem:s20+$0x14D0];
	_ =	sdelay $0x4  }
0x80: {  	v0 =	vmul.u32 $0x41, v0;
	_ =	sdelay $0x1  }
0x81: {  	[tilespmem:$0x2A50] =	vst v0  }
0x82: {  	v0 =	vld [tilespmem:s20+$0x14E0];
	_ =	sdelay $0x4  }
0x83: {  	v0 =	vmul.u32 $0x41, v0;
	_ =	sdelay $0x1  }
0x84: {  	[tilespmem:$0x2A60] =	vst v0  }
0x85: {  	v0 =	vld [tilespmem:s20+$0x14F0];
	_ =	sdelay $0x4  }
0x86: {  	v0 =	vmul.u32 $0x41, v0;
	_ =	sdelay $0x1  }
0x87: {  	[tilespmem:$0x2A70] =	vst v0  }
0x88: {  	v0 =	vld [tilespmem:s20+$0x1880];
	_ =	sdelay $0x4  }
0x89: {  	v0 =	vmul.u32 $0x41, v0;
	_ =	sdelay $0x1  }
0x8a: {  	[tilespmem:$0x2A80] =	vst v0  }
0x8b: {  	v0 =	vld [tilespmem:s20+$0x1890];
	_ =	sdelay $0x4  }
0x8c: {  	v0 =	vmul.u32 $0x41, v0;
	_ =	sdelay $0x1  }
0x8d: {  	[tilespmem:$0x2A90] =	vst v0  }
0x8e: {  	v0 =	vld [tilespmem:s20+$0x18A0];
	_ =	sdelay $0x4  }
0x8f: {  	v0 =	vmul.u32 $0x41, v0;
	_ =	sdelay $0x1  }
0x90: {  	[tilespmem:$0x2AA0] =	vst v0  }
0x91: {  	v0 =	vld [tilespmem:s20+$0x18B0];
	_ =	sdelay $0x4  }
0x92: {  	v0 =	vmul.u32 $0x41, v0;
	_ =	sdelay $0x1  }
0x93: {  	[tilespmem:$0x2AB0] =	vst v0  }
0x94: {  	v0 =	vld [tilespmem:s20+$0x18C0];
	_ =	sdelay $0x4  }
0x95: {  	v0 =	vmul.u32 $0x41, v0;
	_ =	sdelay $0x1  }
0x96: {  	[tilespmem:$0x2AC0] =	vst v0  }
0x97: {  	v0 =	vld [tilespmem:s20+$0x18D0];
	_ =	sdelay $0x4  }
0x98: {  	v0 =	vmul.u32 $0x41, v0;
	_ =	sdelay $0x1  }
0x99: {  	[tilespmem:$0x2AD0] =	vst v0  }
0x9a: {  	v0 =	vld [tilespmem:s20+$0x18E0];
	_ =	sdelay $0x4  }
0x9b: {  	v0 =	vmul.u32 $0x41, v0;
	_ =	sdelay $0x1  }
0x9c: {  	[tilespmem:$0x2AE0] =	vst v0  }
0x9d: {  	v0 =	vld [tilespmem:s20+$0x18F0];
	_ =	sdelay $0x4  }
0x9e: {  	v0 =	vmul.u32 $0x41, v0;
	_ =	sdelay $0x1  }
0x9f: {  	[tilespmem:$0x2AF0] =	vst v0  }
0xa0: {  	v0 =	vld [tilespmem:s20+$0x1C80];
	_ =	sdelay $0x4  }
0xa1: {  	v0 =	vmul.u32 $0x41, v0;
	_ =	sdelay $0x1  }
0xa2: {  	[tilespmem:$0x2B00] =	vst v0  }
0xa3: {  	v0 =	vld [tilespmem:s20+$0x1C90];
	_ =	sdelay $0x4  }
0xa4: {  	v0 =	vmul.u32 $0x41, v0;
	_ =	sdelay $0x1  }
0xa5: {  	[tilespmem:$0x2B10] =	vst v0  }
0xa6: {  	v0 =	vld [tilespmem:s20+$0x1CA0];
	_ =	sdelay $0x4  }
0xa7: {  	v0 =	vmul.u32 $0x41, v0;
	_ =	sdelay $0x1  }
0xa8: {  	[tilespmem:$0x2B20] =	vst v0  }
0xa9: {  	v0 =	vld [tilespmem:s20+$0x1CB0];
	_ =	sdelay $0x4  }
0xaa: {  	v0 =	vmul.u32 $0x41, v0;
	_ =	sdelay $0x1  }
0xab: {  	[tilespmem:$0x2B30] =	vst v0  }
0xac: {  	v0 =	vld [tilespmem:s20+$0x1CC0];
	_ =	sdelay $0x4  }
0xad: {  	v0 =	vmul.u32 $0x41, v0;
	_ =	sdelay $0x1  }
0xae: {  	[tilespmem:$0x2B40] =	vst v0  }
0xaf: {  	v0 =	vld [tilespmem:s20+$0x1CD0];
	_ =	sdelay $0x4  }
0xb0: {  	v0 =	vmul.u32 $0x41, v0;
	_ =	sdelay $0x1  }
0xb1: {  	[tilespmem:$0x2B50] =	vst v0  }
0xb2: {  	v0 =	vld [tilespmem:s20+$0x1CE0];
	_ =	sdelay $0x4  }
0xb3: {  	v0 =	vmul.u32 $0x41, v0;
	_ =	sdelay $0x1  }
0xb4: {  	[tilespmem:$0x2B60] =	vst v0  }
0xb5: {  	v0 =	vld [tilespmem:s20+$0x1CF0];
	_ =	sdelay $0x4  }
0xb6: {  	v0 =	vmul.u32 $0x41, v0;
	_ =	sdelay $0x1  }
0xb7: {  	[tilespmem:$0x2B70] =	vst v0  }
0xb8: {  	v0 =	vld [tilespmem:s20+$0x2080];
	_ =	sdelay $0x4  }
0xb9: {  	v0 =	vmul.u32 $0x41, v0;
	_ =	sdelay $0x1  }
0xba: {  	[tilespmem:$0x2B80] =	vst v0  }
0xbb: {  	v0 =	vld [tilespmem:s20+$0x2090];
	_ =	sdelay $0x4  }
0xbc: {  	v0 =	vmul.u32 $0x41, v0;
	_ =	sdelay $0x1  }
0xbd: {  	[tilespmem:$0x2B90] =	vst v0  }
0xbe: {  	v0 =	vld [tilespmem:s20+$0x20A0];
	_ =	sdelay $0x4  }
0xbf: {  	v0 =	vmul.u32 $0x41, v0;
	_ =	sdelay $0x1  }
0xc0: {  	[tilespmem:$0x2BA0] =	vst v0  }
0xc1: {  	v0 =	vld [tilespmem:s20+$0x20B0];
	_ =	sdelay $0x4  }
0xc2: {  	v0 =	vmul.u32 $0x41, v0;
	_ =	sdelay $0x1  }
0xc3: {  	[tilespmem:$0x2BB0] =	vst v0  }
0xc4: {  	v0 =	vld [tilespmem:s20+$0x20C0];
	_ =	sdelay $0x4  }
0xc5: {  	v0 =	vmul.u32 $0x41, v0;
	_ =	sdelay $0x1  }
0xc6: {  	[tilespmem:$0x2BC0] =	vst v0  }
0xc7: {  	v0 =	vld [tilespmem:s20+$0x20D0];
	_ =	sdelay $0x4  }
0xc8: {  	v0 =	vmul.u32 $0x41, v0;
	_ =	sdelay $0x1  }
0xc9: {  	[tilespmem:$0x2BD0] =	vst v0  }
0xca: {  	v0 =	vld [tilespmem:s20+$0x20E0];
	_ =	sdelay $0x4  }
0xcb: {  	v0 =	vmul.u32 $0x41, v0;
	_ =	sdelay $0x1  }
0xcc: {  	[tilespmem:$0x2BE0] =	vst v0  }
0xcd: {  	v0 =	vld [tilespmem:s20+$0x20F0];
	_ =	sdelay $0x4  }
0xce: {  	v0 =	vmul.u32 $0x41, v0;
	_ =	sdelay $0x1  }
0xcf: {  	[tilespmem:$0x2BF0] =	vst v0  }
0xd0: {  	v0 =	vld [tilespmem:s20+$0x2480];
	_ =	sdelay $0x4  }
0xd1: {  	v0 =	vmul.u32 $0x41, v0;
	_ =	sdelay $0x1  }
0xd2: {  	[tilespmem:$0x2C00] =	vst v0  }
0xd3: {  	v0 =	vld [tilespmem:s20+$0x2490];
	_ =	sdelay $0x4  }
0xd4: {  	v0 =	vmul.u32 $0x41, v0;
	_ =	sdelay $0x1  }
0xd5: {  	[tilespmem:$0x2C10] =	vst v0  }
0xd6: {  	v0 =	vld [tilespmem:s20+$0x24A0];
	_ =	sdelay $0x4  }
0xd7: {  	v0 =	vmul.u32 $0x41, v0;
	_ =	sdelay $0x1  }
0xd8: {  	[tilespmem:$0x2C20] =	vst v0  }
0xd9: {  	v0 =	vld [tilespmem:s20+$0x24B0];
	_ =	sdelay $0x4  }
0xda: {  	v0 =	vmul.u32 $0x41, v0;
	_ =	sdelay $0x1  }
0xdb: {  	[tilespmem:$0x2C30] =	vst v0  }
0xdc: {  	v0 =	vld [tilespmem:s20+$0x24C0];
	_ =	sdelay $0x4  }
0xdd: {  	v0 =	vmul.u32 $0x41, v0;
	_ =	sdelay $0x1  }
0xde: {  	[tilespmem:$0x2C40] =	vst v0  }
0xdf: {  	v0 =	vld [tilespmem:s20+$0x24D0];
	_ =	sdelay $0x4  }
0xe0: {  	v0 =	vmul.u32 $0x41, v0;
	_ =	sdelay $0x1  }
0xe1: {  	[tilespmem:$0x2C50] =	vst v0  }
0xe2: {  	v0 =	vld [tilespmem:s20+$0x24E0];
	_ =	sdelay $0x4  }
0xe3: {  	v0 =	vmul.u32 $0x41, v0;
	_ =	sdelay $0x1  }
0xe4: {  	[tilespmem:$0x2C60] =	vst v0  }
0xe5: {  	v0 =	vld [tilespmem:s20+$0x24F0];
	_ =	sdelay $0x4  }
0xe6: {  	v0 =	vmul.u32 $0x41, v0;
	_ =	sdelay $0x1  }
0xe7: {  	[tilespmem:$0x2C70] =	vst v0  }
.LBB2_4:
0xe8: {  	s20 =	sand.u32 $0x3, s17  }
0xe9: {  	s21 =	sadd.s32 $0x1, s20  }
0xea: {  	_ =	swait.ge [sflag:s21], $0x2000  }
0xeb: {  	[sflag:s21] =	ssyncset.done $0x0  }
0xec: {  	s29 =	simm.s32 $0x2880;
	[sflag:s21] =	ssyncadd.s32 $0xFFFFE000  }
0xed: {  	v9 =	vld [tilespmem:s29+$0x0];
	_ =	sdelay $0x2  }
0xee: {  	s22 =	sshll.u32 s19, $0x3;
	s21 =	simm.s32 $0x0  }
0xef: {  	v0 =	vmov s22;
	s23 =	sor.u32 $0x1, s22;
	s24 =	sand.u32 $0x60, s21  }
0xf0: {  	s30 =	sor.u32 $0x2, s22;
	v1 =	vmov s23;
	s26 =	sand.u32 $0x380, s21;
	s25 =	sor.u32 $0x10, s24;
	v7 =	vadd.s32 v0, v9  }
0xf1: {  	s31 =	sor.u32 $0x3, s22;
	v2 =	vmov s30;
	s26 =	sor.u32 s25, s26;
	v10 =	vadd.s32 v1, v9  }
0xf2: {  	v3 =	vmov s31;
	s29 =	sor.u32 $0x4, s22;
	v13 =	vld [tilespmem:s26+$0x2880];
	v11 =	vadd.s32 v2, v9  }
0xf3: {  	s30 =	sor.u32 $0x5, s22;
	s31 =	simm.s32 $0x28A0;
	v4 =	vmov s29;
	v12 =	vadd.s32 v3, v9  }
0xf4: {  	v5 =	vmov s30;
	s22 =	sor.u32 $0x6, s22;
	v8 =	vld [tilespmem:s31+$0x0];
	v14 =	vadd.s32 v4, v9  }
0xf5: {  	v6 =	vmov s22;
	v16 =	vadd.s32 v5, v9;
	v15 =	vld.idx.msk [tilespmem:v7+s4+$0x0], $0xffff  }
0xf6: {  	v17 =	vadd.s32 v6, v9;
	v10 =	vld.idx.msk [tilespmem:v10+s4+$0x0], $0xffff  }
0xf7: {  	v18 =	vadd.s32 v0, v13;
	v11 =	vld.idx.msk [tilespmem:v11+s4+$0x0], $0xffff  }
0xf8: {  	v19 =	vadd.s32 v1, v13;
	v12 =	vld.idx.msk [tilespmem:v12+s4+$0x0], $0xffff  }
0xf9: {  	v21 =	vadd.s32 v2, v13;
	v14 =	vld.idx.msk [tilespmem:v14+s4+$0x0], $0xffff  }
0xfa: {  	v22 =	vadd.s32 v3, v13;
	v16 =	vld.idx.msk [tilespmem:v16+s4+$0x0], $0xffff  }
0xfb: {  	s26 =	sshllo.u32 s19, $0x3;
	v23 =	vadd.s32 v4, v13;
	v17 =	vld.idx.msk [tilespmem:v17+s4+$0x0], $0xffff  }
0xfc: {  	v24 =	vadd.s32 v5, v13;
	v7 =	vmov s26;
	v18 =	vld.idx.msk [tilespmem:v18+s4+$0x0], $0xffff  }
0xfd: {  	v9 =	vadd.s32 v7, v9;
	v19 =	vld.idx.msk [tilespmem:v19+s4+$0x0], $0xffff  }
0xfe: {  	v20 =	vadd.s32 v7, v13;
	v21 =	vld.idx.msk [tilespmem:v21+s4+$0x0], $0xffff  }
0xff: {  	v13 =	vadd.s32 v6, v13;
	v22 =	vld.idx.msk [tilespmem:v22+s4+$0x0], $0xffff  }
0x100: {  	v23 =	vld.idx.msk [tilespmem:v23+s4+$0x0], $0xffff  }
0x101: {  	s29 =	sshll.u32 s20, $0xD;
	v24 =	vld.idx.msk [tilespmem:v24+s4+$0x0], $0xffff  }
0x102: {  	s30 =	sand.u32 $0x1C00, s21;
	s22 =	sadd.s32 $0x2C80, s29;
	v9 =	vld.idx.msk [tilespmem:v9+s4+$0x0], $0xffff  }
0x103: {  	s23 =	sadd.s32 s30, s22;
	v20 =	vld.idx.msk [tilespmem:v20+s4+$0x0], $0xffff  }
0x104: {  	s31 =	sadd.s32 s24, s23;
	v13 =	vld.idx.msk [tilespmem:v13+s4+$0x0], $0xffff  }
0x105: {  	[tilespmem:s31+$0x0] =	vst.add.f32.msk $0xffff, v15  }
0x106: {  	[tilespmem:s31+$0x80] =	vst.add.f32.msk $0xffff, v10  }
0x107: {  	[tilespmem:s31+$0x100] =	vst.add.f32.msk $0xffff, v11  }
0x108: {  	[tilespmem:s31+$0x180] =	vst.add.f32.msk $0xffff, v12  }
0x109: {  	[tilespmem:s31+$0x200] =	vst.add.f32.msk $0xffff, v14  }
0x10a: {  	[tilespmem:s31+$0x280] =	vst.add.f32.msk $0xffff, v16  }
0x10b: {  	s25 =	sadd.s32 s25, s23;
	[tilespmem:s31+$0x300] =	vst.add.f32.msk $0xffff, v17  }
0x10c: {  	[tilespmem:s25+$0x0] =	vst.add.f32.msk $0xffff, v18  }
0x10d: {  	[tilespmem:s25+$0x80] =	vst.add.f32.msk $0xffff, v19  }
0x10e: {  	[tilespmem:s25+$0x100] =	vst.add.f32.msk $0xffff, v21  }
0x10f: {  	[tilespmem:s25+$0x180] =	vst.add.f32.msk $0xffff, v22  }
0x110: {  	[tilespmem:s25+$0x200] =	vst.add.f32.msk $0xffff, v23  }
0x111: {  	s24 =	simm.s32 $0x20;
	[tilespmem:s25+$0x280] =	vst.add.f32.msk $0xffff, v24  }
0x112: {  	s23 =	sand.u32 $0x60, s24;
	v10 =	vadd.s32 v0, v8;
	[tilespmem:s25+$0x380] =	vst.add.f32.msk $0xffff, v20  }
0x113: {  	s28 =	sand.u32 $0x380, s24;
	v11 =	vadd.s32 v1, v8;
	[tilespmem:s25+$0x300] =	vst.add.f32.msk $0xffff, v13;
	s25 =	sor.u32 $0x10, s23  }
0x114: {  	v12 =	vadd.s32 v2, v8;
	[tilespmem:s31+$0x380] =	vst.add.f32.msk $0xffff, v9;
	s28 =	sor.u32 s25, s28  }
0x115: {  	s26 =	simm.s32 $0x2;
	v13 =	vadd.s32 v3, v8;
	v9 =	vld [tilespmem:s28+$0x2880];
	s28 =	simm.s32 $0x28C0  }
.LBB2_5:
0x116: {  	v14 =	vld [tilespmem:s28+$0x0];
	v15 =	vadd.s32 v4, v8  }
0x117: {  	v16 =	vadd.s32 v5, v8;
	v10 =	vld.idx.msk [tilespmem:v10+s4+$0x0], $0xffff  }
0x118: {  	v17 =	vadd.s32 v6, v8;
	v11 =	vld.idx.msk [tilespmem:v11+s4+$0x0], $0xffff  }
0x119: {  	v18 =	vadd.s32 v7, v8;
	v12 =	vld.idx.msk [tilespmem:v12+s4+$0x0], $0xffff  }
0x11a: {  	v13 =	vld.idx.msk [tilespmem:v13+s4+$0x0], $0xffff;
	v19 =	vadd.s32 v0, v9  }
0x11b: {  	v20 =	vadd.s32 v1, v9;
	v15 =	vld.idx.msk [tilespmem:v15+s4+$0x0], $0xffff;
	v8 =	vmov v14  }
0x11c: {  	v14 =	vld.idx.msk [tilespmem:v16+s4+$0x0], $0xffff;
	v16 =	vadd.s32 v7, v9  }
0x11d: {  	v21 =	vadd.s32 v2, v9;
	v17 =	vld.idx.msk [tilespmem:v17+s4+$0x0], $0xffff  }
0x11e: {  	v22 =	vadd.s32 v3, v9;
	v18 =	vld.idx.msk [tilespmem:v18+s4+$0x0], $0xffff  }
0x11f: {  	v23 =	vadd.s32 v4, v9;
	v19 =	vld.idx.msk [tilespmem:v19+s4+$0x0], $0xffff  }
0x120: {  	v24 =	vadd.s32 v5, v9;
	v20 =	vld.idx.msk [tilespmem:v20+s4+$0x0], $0xffff  }
0x121: {  	v9 =	vadd.s32 v6, v9;
	v16 =	vld.idx.msk [tilespmem:v16+s4+$0x0], $0xffff  }
0x122: {  	v21 =	vld.idx.msk [tilespmem:v21+s4+$0x0], $0xffff  }
0x123: {  	s21 =	sadd.s32 $0x100, s21;
	v22 =	vld.idx.msk [tilespmem:v22+s4+$0x0], $0xffff  }
0x124: {  	s29 =	sand.u32 $0x1C00, s21;
	v23 =	vld.idx.msk [tilespmem:v23+s4+$0x0], $0xffff  }
0x125: {  	s29 =	sadd.s32 s29, s22;
	v24 =	vld.idx.msk [tilespmem:v24+s4+$0x0], $0xffff  }
0x126: {  	s30 =	sadd.s32 s23, s29;
	s23 =	sadd.s32 s25, s29;
	v9 =	vld.idx.msk [tilespmem:v9+s4+$0x0], $0xffff  }
0x127: {  	[tilespmem:s23+$0x380] =	vst.add.f32.msk $0xffff, v16  }
0x128: {  	[tilespmem:s23+$0x0] =	vst.add.f32.msk $0xffff, v19  }
0x129: {  	[tilespmem:s23+$0x80] =	vst.add.f32.msk $0xffff, v20  }
0x12a: {  	[tilespmem:s23+$0x100] =	vst.add.f32.msk $0xffff, v21  }
0x12b: {  	[tilespmem:s23+$0x180] =	vst.add.f32.msk $0xffff, v22  }
0x12c: {  	[tilespmem:s23+$0x200] =	vst.add.f32.msk $0xffff, v23  }
0x12d: {  	[tilespmem:s23+$0x280] =	vst.add.f32.msk $0xffff, v24  }
0x12e: {  	[tilespmem:s23+$0x300] =	vst.add.f32.msk $0xffff, v9  }
0x12f: {  	[tilespmem:s30+$0x0] =	vst.add.f32.msk $0xffff, v10  }
0x130: {  	[tilespmem:s30+$0x80] =	vst.add.f32.msk $0xffff, v11  }
0x131: {  	s26 =	sadd.s32 $0x2, s26;
	[tilespmem:s30+$0x100] =	vst.add.f32.msk $0xffff, v12  }
0x132: {  	p0 =	slt.u32 s26, $0x3E;
	[tilespmem:s30+$0x180] =	vst.add.f32.msk $0xffff, v13  }
.Ltmp1:
0x133: {  	s24 =	sadd.s32 $0x20, s24;
	[tilespmem:s30+$0x200] =	vst.add.f32.msk $0xffff, v15;
	(pc) =	sbr.rel @p0 .LBB2_5-.Ltmp1, $4  }
0x134: {  	s23 =	sand.u32 $0x60, s24;
	v10 =	vadd.s32 v0, v8;
	[tilespmem:s30+$0x280] =	vst.add.f32.msk $0xffff, v14  }
0x135: {  	s29 =	sand.u32 $0x380, s24;
	s25 =	sor.u32 $0x10, s23;
	v11 =	vadd.s32 v1, v8;
	[tilespmem:s30+$0x300] =	vst.add.f32.msk $0xffff, v17  }
0x136: {  	s29 =	sor.u32 s25, s29;
	v12 =	vadd.s32 v2, v8;
	[tilespmem:s30+$0x380] =	vst.add.f32.msk $0xffff, v18  }
0x137: {  	s28 =	sadd.s32 $0x20, s28;
	v13 =	vadd.s32 v3, v8;
	v9 =	vld [tilespmem:s29+$0x2880]  }
0x138: {  	_ =	sdelay $0x2  }
0x139: {  	v14 =	vadd.s32 v4, v8  }
0x13a: {  	v10 =	vld.idx.msk [tilespmem:v10+s4+$0x0], $0xffff;
	v15 =	vadd.s32 v5, v8  }
0x13b: {  	v11 =	vld.idx.msk [tilespmem:v11+s4+$0x0], $0xffff;
	v16 =	vadd.s32 v6, v8  }
0x13c: {  	v12 =	vld.idx.msk [tilespmem:v12+s4+$0x0], $0xffff;
	v59 =	vadd.s32 v7, v8  }
0x13d: {  	v13 =	vld.idx.msk [tilespmem:v13+s4+$0x0], $0xffff  }
0x13e: {  	s21 =	sadd.s32 $0x100, s21;
	v14 =	vld.idx.msk [tilespmem:v14+s4+$0x0], $0xffff  }
0x13f: {  	s21 =	sand.u32 $0x1C00, s21;
	v15 =	vld.idx.msk [tilespmem:v15+s4+$0x0], $0xffff  }
0x140: {  	s21 =	sadd.s32 s21, s22;
	v16 =	vld.idx.msk [tilespmem:v16+s4+$0x0], $0xffff  }
0x141: {  	s24 =	sadd.s32 s25, s21;
	s21 =	sadd.s32 s23, s21;
	v0 =	vadd.s32 v0, v9;
	v8 =	vld.idx.msk [tilespmem:v59+s4+$0x0], $0xffff  }
0x142: {  	v1 =	vadd.s32 v1, v9;
	[tilespmem:s21+$0x0] =	vst.add.f32.msk $0xffff, v10  }
0x143: {  	v60 =	vadd.s32 v7, v9;
	[tilespmem:s21+$0x80] =	vst.add.f32.msk $0xffff, v11  }
0x144: {  	v2 =	vadd.s32 v2, v9;
	[tilespmem:s21+$0x100] =	vst.add.f32.msk $0xffff, v12  }
0x145: {  	v3 =	vadd.s32 v3, v9;
	[tilespmem:s21+$0x180] =	vst.add.f32.msk $0xffff, v13  }
0x146: {  	v61 =	vadd.s32 v4, v9;
	v0 =	vld.idx.msk [tilespmem:v0+s4+$0x0], $0xffff  }
0x147: {  	v62 =	vadd.s32 v5, v9;
	v1 =	vld.idx.msk [tilespmem:v1+s4+$0x0], $0xffff  }
0x148: {  	v63 =	vadd.s32 v6, v9;
	v7 =	vld.idx.msk [tilespmem:v60+s4+$0x0], $0xffff  }
0x149: {  	v2 =	vld.idx.msk [tilespmem:v2+s4+$0x0], $0xffff  }
0x14a: {  	v3 =	vld.idx.msk [tilespmem:v3+s4+$0x0], $0xffff  }
0x14b: {  	v4 =	vld.idx.msk [tilespmem:v61+s4+$0x0], $0xffff  }
0x14c: {  	v5 =	vld.idx.msk [tilespmem:v62+s4+$0x0], $0xffff  }
0x14d: {  	v6 =	vld.idx.msk [tilespmem:v63+s4+$0x0], $0xffff  }
0x14e: {  	[tilespmem:s21+$0x200] =	vst.add.f32.msk $0xffff, v14  }
0x14f: {  	[tilespmem:s21+$0x280] =	vst.add.f32.msk $0xffff, v15  }
0x150: {  	[tilespmem:s21+$0x300] =	vst.add.f32.msk $0xffff, v16  }
0x151: {  	[tilespmem:s21+$0x380] =	vst.add.f32.msk $0xffff, v8  }
0x152: {  	[tilespmem:s24+$0x380] =	vst.add.f32.msk $0xffff, v7  }
0x153: {  	[tilespmem:s24+$0x0] =	vst.add.f32.msk $0xffff, v0  }
0x154: {  	[tilespmem:s24+$0x80] =	vst.add.f32.msk $0xffff, v1  }
0x155: {  	s18 =	sshll.u32 s18, $0x12;
	s19 =	sshll.u32 s19, $0xF;
	[tilespmem:s24+$0x100] =	vst.add.f32.msk $0xffff, v2  }
0x156: {  	s18 =	sor.u32 s19, s18;
	[tilespmem:s24+$0x180] =	vst.add.f32.msk $0xffff, v3  }
0x157: {  	s18 =	sor.u32 s5, s18;
	[tilespmem:s24+$0x200] =	vst.add.f32.msk $0xffff, v4  }
0x158: {  	s18 =	sshrl.u32 s18, $0x3;
	[tilespmem:s24+$0x280] =	vst.add.f32.msk $0xffff, v5  }
0x159: {  	s31 =	sadd.s32 $0x5, s20;
	p0 =	sgt.u32 s17, $0xC5;
	s18 =	sadd.s32 s3, s18;
	[tilespmem:s24+$0x300] =	vst.add.f32.msk $0xffff, v6  }
0x15a: {  	[hbm4b:s18+s4] =	stream.linear.scatter [tilespmem:s22], [sflag:s31], $0x2000, $0x38;
	[tilespmem:$0xAC80] =	vst v63  }
0x15b: {  	s18 =	sadd.s32 @!p0 $0x2, s17  }
0x15c: {  	s20 =	sshrl.u32 @!p0 s18, $0x3  }
0x15d: {  	s21 =	sshll.u32 @!p0 s18, $0xF;
	s20 =	sadd.s32 @!p0 s9, s20  }
0x15e: {  	_ =	swait.ge [sflag:s31], $0x2000;
	s21 =	sand.u32 @!p0 $0x38000, s21;
	s20 =	sshll.u32 @!p0 s20, $0x12  }
0x15f: {  	s17 =	sadd.s32 $0x1, s17;
	[sflag:s31] =	ssyncset.done $0x0;
	s20 =	sor.u32 @!p0 s21, s20  }
0x160: {  	s18 =	sand.u32 @!p0 $0x3, s18;
	[sflag:s31] =	ssyncadd.s32 $0xFFFFE000;
	s20 =	sor.u32 @!p0 s5, s20  }
0x161: {  	s21 =	sshll.u32 @!p0 s18, $0xD;
	s18 =	sadd.s32 @!p0 $0x1, s18;
	s20 =	sshrl.u32 @!p0 s20, $0x3  }
0x162: {  	s19 =	sadd.s32 @!p0 $0x2C80, s21;
	s21 =	simm.s32 @!p0 $0x0;
	s20 =	sadd.s32 @!p0 s2, s20  }
0x163: {  	[tilespmem:s19], [sflag:s18] =	stream.linear.gather @!p0 [hbm4b:s20+s21], $0x2000, $0x38;
	[tilespmem:$0xAC80] =	vst v63  }
0x164: {  	p0 =	sne.s32 s17, $0xC8  }
.Ltmp2:
0x165: {  	_ = 	snop;
	(pc) =	sbr.rel @p0 .LBB2_2-.Ltmp2, $1  }
0x166: {  	_ =	sdelay $0x3  }
0x167: {  	s16 =	sadd.s32 $0x1, s16  }
0x168: {  	p0 =	sne.s32 s16, s11  }
.Ltmp3:
0x169: {  	_ = 	snop;
	(pc) =	sbr.rel @p0 .LBB2_1-.Ltmp3, $1  }
0x16a: {  	_ =	sdelay $0x3  }
0x16b: {  	_ =	sfence.sel $0x180000  }
0x16c: {  	[bflag:$0x0] =	sbarrier.arrive $0xFFFF  }
0x16d: {  	p0 =	sne.s32 s1, $0x0;
	_ =	strace $0x90000047  }
0x16e: {  	s0 =	sadd.s32 @!p0 $0x100000, s0;
	[bflag:$0x2] =	sbarrier.arrive $0xFFFF  }
0x16f: {  	[sflag:s0] =	ssyncadd.tile.s32 @!p0 $0x1;
	_ =	shalt  }
.Lfunc_end2:
_tile_overlayer_lowered:
.L_overlay_start_2:
0x170: {  	(tag) =	ssettag $0x2  }
0x171: {  	s0 =	rddreg [dreg:$0x0];
	s2 =	stileid.u32  }
0x172: {  	s1 =	rddreg [dreg:$0x1];
	p0 =	sne.s32 s2, $0x0  }
0x173: {  	s3 =	rddreg [dreg:$0x2];
	[bflag:$0x3] =	sbarrier.arrive $0xFFFF;
	s2 =	simm.s32 @!p0 $0x1C09  }
0x174: {  	[timem:s3], [sflag:s2] =	dma.local @!p0 [hbm:s0], s1  }
0x175: {  	s0 =	simm.s32 @!p0 $0x9  }
0x176: {  	_ =	swait.ge @!p0 [sflag:s0], s1  }
0x177: {  	s1 =	ssub.s32 @!p0 $0x0, s1;
	[sflag:s0] =	ssyncset.done @!p0 $0x0  }
0x178: {  	[sflag:s0] =	ssyncadd.s32 @!p0 s1  }
0x179: {  	[bflag:$0x3] =	sbarrier.arrive $0xFFFF  }
0x17a: {  	_ =	shalt  }

</sc_bundles>
